<compile_context>
chip_gen: v7x
topology: tpu7x:2x2x1
jax: 0.10.2.dev20260603
libtpu: 0.0.44.dev20260713+nightly
codegen_flags: <defaults>
</compile_context>

<pallas_src>
import functools

import jax
import jax.numpy as jnp
from jax import lax
from jax.experimental import pallas as pl
from jax.experimental.pallas import tpu as pltpu
from jax.experimental.pallas import tpu_sc as plsc

N = 10000
D = 128
E = 320000
EPS = 1e-5
NC, NS = 2, 16
NTILES = NC * NS
CHUNK = 128
CPT = 81
EPT = CPT * CHUNK
E_PAD = NTILES * EPT
NPAD = 10112
ROWS_PT = NPAD // NS

_MESH = plsc.VectorSubcoreMesh(core_axis_name="c", subcore_axis_name="s")


def _run_edge_loop(c, s, body_for_chunk):
    base = (c * NS + s) * EPT

    def step(j, carry):
        body_for_chunk(base + j * CHUNK)
        return carry

    lax.fori_loop(0, CPT, step, 0)


def _deg_body(dst_hbm, ones_hbm, out_hbm, dst_v0, dst_v1, ones_v, zbuf_v,
              deg_sh, dsem0, dsem1):
    c = lax.axis_index("c")
    s = lax.axis_index("s")

    pltpu.sync_copy(ones_hbm.at[pl.ds(0, CHUNK)], ones_v)

    def zloop(k, carry):
        off = s * ROWS_PT + k * CHUNK
        pltpu.sync_copy(zbuf_v, deg_sh.at[pl.ds(off, CHUNK)])
        return carry

    pltpu.sync_copy(ones_hbm.at[pl.ds(CHUNK, CHUNK)], zbuf_v)
    lax.fori_loop(0, ROWS_PT // CHUNK, zloop, 0)
    tail = ROWS_PT % CHUNK
    toff = s * ROWS_PT + (ROWS_PT // CHUNK) * CHUNK
    pltpu.sync_copy(zbuf_v.at[pl.ds(0, tail)], deg_sh.at[pl.ds(toff, tail)])
    plsc.subcore_barrier()

    base = (c * NS + s) * EPT
    dsts = (dst_v0, dst_v1)
    dsems = (dsem0, dsem1)

    pltpu.async_copy(dst_hbm.at[pl.ds(base, CHUNK)], dst_v0, dsem0)

    def ring_step(g, carry):
        for b in (0, 1):
            j = 2 * g + b
            nxt = j + 1

            @pl.when(nxt < CPT)
            def _():
                off = base + nxt * CHUNK
                pltpu.async_copy(dst_hbm.at[pl.ds(off, CHUNK)], dsts[1 - b],
                                 dsems[1 - b])

            pltpu.make_async_copy(dst_hbm.at[pl.ds(base, CHUNK)], dsts[b],
                                  dsems[b]).wait()
            pltpu.sync_copy(ones_v, deg_sh.at[dsts[b]], add=True)
        return carry

    lax.fori_loop(0, CPT // 2, ring_step, 0)
    if CPT % 2:
        pltpu.make_async_copy(dst_hbm.at[pl.ds(base, CHUNK)], dst_v0,
                              dsem0).wait()
        pltpu.sync_copy(ones_v, deg_sh.at[dst_v0], add=True)
    plsc.subcore_barrier()

    def writeback(k, carry):
        off = s * ROWS_PT + k * CHUNK
        pltpu.sync_copy(deg_sh.at[pl.ds(off, CHUNK)], zbuf_v)
        pltpu.sync_copy(zbuf_v, out_hbm.at[pl.ds(c * NPAD + off, CHUNK)])
        return carry

    lax.fori_loop(0, ROWS_PT // CHUNK, writeback, 0)
    pltpu.sync_copy(deg_sh.at[pl.ds(toff, tail)], zbuf_v.at[pl.ds(0, tail)])
    pltpu.sync_copy(zbuf_v.at[pl.ds(0, tail)], out_hbm.at[pl.ds(c * NPAD + toff, tail)])


_deg_call = pl.kernel(
    _deg_body,
    out_type=jax.ShapeDtypeStruct((NC * NPAD, D), jnp.float32),
    mesh=_MESH,
    scratch_types=[
        pltpu.VMEM((CHUNK,), jnp.int32),
        pltpu.VMEM((CHUNK,), jnp.int32),
        pltpu.VMEM((CHUNK, D), jnp.float32),
        pltpu.VMEM((CHUNK, D), jnp.float32),
        pltpu.VMEM_SHARED((NPAD, D), jnp.float32),
        pltpu.SemaphoreType.DMA,
        pltpu.SemaphoreType.DMA,
    ],
)


def _agg_body(hn_hbm, src_hbm, dst_hbm, out_hbm,
              src_v0, src_v1, src_v2, dst_v0, dst_v1, dst_v2,
              rows_v0, rows_v1, rows_v2,
              agg_sh, sem0, sem1, sem2):
    c = lax.axis_index("c")
    s = lax.axis_index("s")
    rows_v = rows_v0

    def stage(k, carry):
        off = s * ROWS_PT + k * CHUNK
        pltpu.sync_copy(hn_hbm.at[pl.ds(off, CHUNK)], rows_v)
        pltpu.sync_copy(rows_v, agg_sh.at[pl.ds(off, CHUNK)])
        return carry

    lax.fori_loop(0, ROWS_PT // CHUNK, stage, 0)
    tail = ROWS_PT % CHUNK
    toff = s * ROWS_PT + (ROWS_PT // CHUNK) * CHUNK
    pltpu.sync_copy(hn_hbm.at[pl.ds(toff, tail)], rows_v.at[pl.ds(0, tail)])
    pltpu.sync_copy(rows_v.at[pl.ds(0, tail)], agg_sh.at[pl.ds(toff, tail)])
    plsc.subcore_barrier()

    base = (c * NS + s) * EPT
    srcs = (src_v0, src_v1, src_v2)
    dsts = (dst_v0, dst_v1, dst_v2)
    rows = (rows_v0, rows_v1, rows_v2)
    sems = (sem0, sem1, sem2)

    for p in (0, 1):
        pltpu.sync_copy(src_hbm.at[pl.ds(base + p * CHUNK, CHUNK)], srcs[p])
        pltpu.sync_copy(dst_hbm.at[pl.ds(base + p * CHUNK, CHUNK)], dsts[p])
        pltpu.async_copy(hn_hbm.at[srcs[p]], rows[p], sems[p])

    def ring_step(g, carry):
        for b in (0, 1, 2):
            j = 3 * g + b
            nxt = j + 2
            nb = (b + 2) % 3

            @pl.when(nxt < CPT)
            def _():
                off = base + nxt * CHUNK
                pltpu.sync_copy(src_hbm.at[pl.ds(off, CHUNK)], srcs[nb])
                pltpu.sync_copy(dst_hbm.at[pl.ds(off, CHUNK)], dsts[nb])
                pltpu.async_copy(hn_hbm.at[srcs[nb]], rows[nb], sems[nb])

            pltpu.make_async_copy(hn_hbm.at[srcs[b]], rows[b], sems[b]).wait()
            pltpu.sync_copy(rows[b], agg_sh.at[dsts[b]], add=True)
        return carry

    lax.fori_loop(0, CPT // 3, ring_step, 0)
    plsc.subcore_barrier()

    def writeback(k, carry):
        off = s * ROWS_PT + k * CHUNK
        pltpu.sync_copy(agg_sh.at[pl.ds(off, CHUNK)], rows_v)
        pltpu.sync_copy(rows_v, out_hbm.at[pl.ds(c * NPAD + off, CHUNK)])
        return carry

    lax.fori_loop(0, ROWS_PT // CHUNK, writeback, 0)
    pltpu.sync_copy(agg_sh.at[pl.ds(toff, tail)], rows_v.at[pl.ds(0, tail)])
    pltpu.sync_copy(rows_v.at[pl.ds(0, tail)], out_hbm.at[pl.ds(c * NPAD + toff, tail)])


_agg_call = pl.kernel(
    _agg_body,
    out_type=jax.ShapeDtypeStruct((NC * NPAD, D), jnp.float32),
    mesh=_MESH,
    scratch_types=[
        pltpu.VMEM((CHUNK,), jnp.int32),
        pltpu.VMEM((CHUNK,), jnp.int32),
        pltpu.VMEM((CHUNK,), jnp.int32),
        pltpu.VMEM((CHUNK,), jnp.int32),
        pltpu.VMEM((CHUNK,), jnp.int32),
        pltpu.VMEM((CHUNK,), jnp.int32),
        pltpu.VMEM((CHUNK, D), jnp.float32),
        pltpu.VMEM((CHUNK, D), jnp.float32),
        pltpu.VMEM((CHUNK, D), jnp.float32),
        pltpu.VMEM_SHARED((NPAD, D), jnp.float32),
        pltpu.SemaphoreType.DMA,
        pltpu.SemaphoreType.DMA,
        pltpu.SemaphoreType.DMA,
    ],
)


def _lin_body(x_ref, w_ref, d0_ref, d1_ref, hn_ref):
    deg = d0_ref[...] + d1_ref[...] + 1.0
    norm = lax.rsqrt(deg)
    h = lax.dot_general(
        x_ref[...], w_ref[...], (((1,), (1,)), ((), ())),
        preferred_element_type=jnp.float32,
    )
    hn_ref[...] = h * norm


ROWS_B = 1000

_lin_call = pl.pallas_call(
    _lin_body,
    grid=(N // ROWS_B,),
    in_specs=[
        pl.BlockSpec((ROWS_B, D), lambda i: (i, 0)),
        pl.BlockSpec((D, D), lambda i: (0, 0)),
        pl.BlockSpec((ROWS_B, 1), lambda i: (i, 0)),
        pl.BlockSpec((ROWS_B, 1), lambda i: (i, 0)),
    ],
    out_specs=pl.BlockSpec((ROWS_B, D), lambda i: (i, 0)),
    out_shape=jax.ShapeDtypeStruct((NPAD, D), jnp.float32),
)


def _ln_body(p0_ref, p1_ref, hn_ref, x_ref, d0_ref, d1_ref, g_ref, b_ref, o_ref):
    deg = d0_ref[...] + d1_ref[...] + 1.0
    norm = lax.rsqrt(deg)
    agg = (p0_ref[...] + p1_ref[...] - hn_ref[...]) * norm
    h = agg + x_ref[...]
    mean = jnp.mean(h, axis=-1, keepdims=True)
    cent = h - mean
    var = jnp.mean(cent * cent, axis=-1, keepdims=True)
    hln = cent * lax.rsqrt(var + EPS) * g_ref[0:1, :] + b_ref[0:1, :]
    o_ref[...] = jnp.maximum(hln, 0.0)


_ln_call = pl.pallas_call(
    _ln_body,
    grid=(N // ROWS_B,),
    in_specs=[
        pl.BlockSpec((ROWS_B, D), lambda i: (i, 0)),
        pl.BlockSpec((ROWS_B, D), lambda i: (i, 0)),
        pl.BlockSpec((ROWS_B, D), lambda i: (i, 0)),
        pl.BlockSpec((ROWS_B, D), lambda i: (i, 0)),
        pl.BlockSpec((ROWS_B, 1), lambda i: (i, 0)),
        pl.BlockSpec((ROWS_B, 1), lambda i: (i, 0)),
        pl.BlockSpec((8, D), lambda i: (0, 0)),
        pl.BlockSpec((8, D), lambda i: (0, 0)),
    ],
    out_specs=pl.BlockSpec((ROWS_B, D), lambda i: (i, 0)),
    out_shape=jax.ShapeDtypeStruct((N, D), jnp.float32),
)


@jax.jit
def kernel(x, edge_index, W, ln_gamma, ln_beta):
    ei = edge_index.astype(jnp.int32)
    pad_i = jnp.arange(E_PAD - E, dtype=jnp.int32)
    src_p = jnp.concatenate([ei[0], pad_i % N])
    dst_p = jnp.concatenate([ei[1], N + pad_i % (NPAD - N)])

    ones_c = jnp.concatenate([
        jnp.ones((CHUNK, D), jnp.float32),
        jnp.zeros((CHUNK, D), jnp.float32),
    ])
    deg_parts = _deg_call(dst_p, ones_c)
    d0 = deg_parts[:N, 0:1]
    d1 = deg_parts[NPAD:NPAD + N, 0:1]

    hn_pad = _lin_call(x, W, d0, d1)
    parts = _agg_call(hn_pad, src_p, dst_p)

    g8 = jnp.broadcast_to(ln_gamma.reshape(1, D), (8, D))
    b8 = jnp.broadcast_to(ln_beta.reshape(1, D), (8, D))
    return _ln_call(parts[:N], parts[NPAD:NPAD + N], hn_pad, x, d0, d1, g8, b8)

# --- scband reference (transcript-rebuilt; emitter-appended) ---
"""Pipeline reference for scband-gcnlayer-norm-84954453115108 (READ-ONLY COPY).

The authoritative reference and input builder live on the scoring server;
editing this copy changes nothing except your own understanding.
"""

import jax, jax.numpy as jnp
import numpy as np

N_NODES = 10000
N_EDGES = 320000
DIM_IN = 128
DIM_OUT = 128
LN_EPS = 1e-5


def setup_inputs(seed: int = 0) -> dict:
    key = jax.random.key(seed)
    k_x, k_e, k_w, k_g, k_b = jax.random.split(key, 5)
    x = jax.random.normal(k_x, (N_NODES, DIM_IN), dtype=jnp.float32)
    edge_index = jax.random.randint(k_e, (2, N_EDGES), 0, N_NODES, dtype=jnp.int64)
    # nn.Linear(dim_in, dim_out, bias=False): weight shape (dim_out, dim_in)
    bound = 1.0 / np.sqrt(DIM_IN)
    W = jax.random.uniform(k_w, (DIM_OUT, DIM_IN), minval=-bound, maxval=bound, dtype=jnp.float32)
    ln_gamma = jnp.ones((DIM_OUT,), dtype=jnp.float32)
    ln_beta = jnp.zeros((DIM_OUT,), dtype=jnp.float32)
    return {"x": x, "edge_index": edge_index, "W": W, "ln_gamma": ln_gamma, "ln_beta": ln_beta}


def reference(x, edge_index, W, ln_gamma, ln_beta):
    N = x.shape[0]
    src = edge_index[0]
    dst = edge_index[1]
    # dgl.add_self_loop: append (i, i) for every node
    loops = jnp.arange(N, dtype=edge_index.dtype)
    src2 = jnp.concatenate([src, loops])
    dst2 = jnp.concatenate([dst, loops])
    # in-degrees of the self-loop-augmented graph
    deg = jnp.zeros((N,), dtype=x.dtype).at[dst2].add(1.0)
    deg = jnp.clip(deg, 1.0)
    norm = jnp.power(deg, -0.5)[:, None]
    # h = Linear(x), no bias
    h = x @ W.T
    h = h * norm
    # update_all(copy_u('h','m'), sum('m','h')): scatter-add source feats into dst
    agg = jnp.zeros_like(h).at[dst2].add(h[src2])
    h = agg * norm
    # residual: dim_in == dim_out -> Identity
    h = h + x
    # LayerNorm
    mean = jnp.mean(h, axis=-1, keepdims=True)
    var = jnp.mean((h - mean) ** 2, axis=-1, keepdims=True)
    h = (h - mean) / jnp.sqrt(var + LN_EPS) * ln_gamma + ln_beta
    # dropout p=0.0 is identity in eval; then ReLU
    return jax.nn.relu(h)

if __name__ == "__main__":
    import jax
    _d = setup_inputs()
    print(jax.jit(kernel)(*tuple(_d.values())))

</pallas_src>

<mosaic_0001>
#map = affine_map<(d0, d1) -> (0)>
#map1 = affine_map<(d0, d1) -> (0, 0)>
module attributes {stable_mosaic.version = 14 : i64} {
  func.func @_deg_body(%arg0: i32, %arg1: i32, %arg2: memref<331776xi32, #tpu.memory_space<hbm>>, %arg3: memref<256x128xf32, #tpu.memory_space<hbm>>, %arg4: memref<20224x128xf32, #tpu.memory_space<hbm>>, %arg5: memref<128xi32, #tpu.memory_space<vmem>>, %arg6: memref<128xi32, #tpu.memory_space<vmem>>, %arg7: memref<128x128xf32, #tpu.memory_space<vmem>>, %arg8: memref<128x128xf32, #tpu.memory_space<vmem>>, %arg9: memref<10112x128xf32, #tpu.memory_space<vmem_shared>>, %arg10: memref<!tpu.dma_semaphore, #tpu.memory_space<semaphore_mem>>, %arg11: memref<!tpu.dma_semaphore, #tpu.memory_space<semaphore_mem>>) attributes {dimension_semantics = [#tpu.dimension_semantics<core_parallel>, #tpu.dimension_semantics<subcore_parallel>], iteration_bounds = array<i64: 2, 16>, scalar_prefetch = 0 : i64, scratch_operands = 7 : i64, tpu.core_type = #tpu.core_type<sc_vector_subcore>, window_params = [{transform_indices = #map}, {transform_indices = #map1}, {transform_indices = #map1}]} {
    "tpu.region"() ({
      %run_scoped3A = tpu.sem_alloc : memref<!tpu.dma_semaphore, #tpu.memory_space<semaphore_mem>>
      %dma_start3A_30 = arith.constant 0 : i32
      %dma_start3A_31 = arith.constant 0 : i32
      %dma_start3A_32 = tpu.memref_slice %arg3[%dma_start3A_30, %dma_start3A_31] : memref<256x128xf32, #tpu.memory_space<hbm>> -> memref<128x128xf32, #tpu.memory_space<hbm>>
      %dma_start3A_33 = arith.constant 0 : i32
      %dma_start3A_34 = arith.constant 0 : i32
      %dma_start3A_35 = tpu.memref_slice %arg3[%dma_start3A_33, %dma_start3A_34] : memref<256x128xf32, #tpu.memory_space<hbm>> -> memref<128x128xf32, #tpu.memory_space<hbm>>
      tpu.enqueue_dma source(%dma_start3A_35 : memref<128x128xf32, #tpu.memory_space<hbm>>) target(%arg7 : memref<128x128xf32, #tpu.memory_space<vmem>>) target_semaphore(%run_scoped3A : memref<!tpu.dma_semaphore, #tpu.memory_space<semaphore_mem>>)
      %dma_wait3A_36 = arith.constant 0 : i32
      %dma_wait3A_37 = arith.constant 0 : i32
      %dma_wait3A_38 = tpu.memref_slice %arg3[%dma_wait3A_36, %dma_wait3A_37] : memref<256x128xf32, #tpu.memory_space<hbm>> -> memref<128x128xf32, #tpu.memory_space<hbm>>
      %dma_wait3A_39 = arith.constant 0 : i32
      %dma_wait3A_40 = arith.constant 0 : i32
      %dma_wait3A_41 = tpu.memref_slice %arg3[%dma_wait3A_39, %dma_wait3A_40] : memref<256x128xf32, #tpu.memory_space<hbm>> -> memref<128x128xf32, #tpu.memory_space<hbm>>
      tpu.wait_dma2 semaphore(%run_scoped3A : memref<!tpu.dma_semaphore, #tpu.memory_space<semaphore_mem>>) src(%dma_wait3A_41 : memref<128x128xf32, #tpu.memory_space<hbm>>) dst(%arg7 : memref<128x128xf32, #tpu.memory_space<vmem>>)
      tpu.yield
    }) : () -> ()
    "tpu.region"() ({
      %run_scoped3A = tpu.sem_alloc : memref<!tpu.dma_semaphore, #tpu.memory_space<semaphore_mem>>
      %dma_start3A_30 = arith.constant 128 : i32
      %dma_start3A_31 = arith.constant 0 : i32
      %dma_start3A_32 = tpu.memref_slice %arg3[%dma_start3A_30, %dma_start3A_31] : memref<256x128xf32, #tpu.memory_space<hbm>> -> memref<128x128xf32, #tpu.memory_space<hbm>>
      %dma_start3A_33 = arith.constant 128 : i32
      %dma_start3A_34 = arith.constant 0 : i32
      %dma_start3A_35 = tpu.memref_slice %arg3[%dma_start3A_33, %dma_start3A_34] : memref<256x128xf32, #tpu.memory_space<hbm>> -> memref<128x128xf32, #tpu.memory_space<hbm>>
      tpu.enqueue_dma source(%dma_start3A_35 : memref<128x128xf32, #tpu.memory_space<hbm>>) target(%arg8 : memref<128x128xf32, #tpu.memory_space<vmem>>) target_semaphore(%run_scoped3A : memref<!tpu.dma_semaphore, #tpu.memory_space<semaphore_mem>>)
      %dma_wait3A_36 = arith.constant 128 : i32
      %dma_wait3A_37 = arith.constant 0 : i32
      %dma_wait3A_38 = tpu.memref_slice %arg3[%dma_wait3A_36, %dma_wait3A_37] : memref<256x128xf32, #tpu.memory_space<hbm>> -> memref<128x128xf32, #tpu.memory_space<hbm>>
      %dma_wait3A_39 = arith.constant 128 : i32
      %dma_wait3A_40 = arith.constant 0 : i32
      %dma_wait3A_41 = tpu.memref_slice %arg3[%dma_wait3A_39, %dma_wait3A_40] : memref<256x128xf32, #tpu.memory_space<hbm>> -> memref<128x128xf32, #tpu.memory_space<hbm>>
      tpu.wait_dma2 semaphore(%run_scoped3A : memref<!tpu.dma_semaphore, #tpu.memory_space<semaphore_mem>>) src(%dma_wait3A_41 : memref<128x128xf32, #tpu.memory_space<hbm>>) dst(%arg8 : memref<128x128xf32, #tpu.memory_space<vmem>>)
      tpu.yield
    }) : () -> ()
    %scan3A = arith.constant 0 : i32
    %scan3A_0 = arith.constant 0 : i32
    %scan3A_1 = arith.constant 4 : i32
    %scan3A_2 = arith.addi %scan3A_0, %scan3A_1 : i32
    %scan3A_3 = arith.constant 1 : i32
    scf.for %scan3A_30 = %scan3A_0 to %scan3A_2 step %scan3A_3  : i32 {
      %mul3A_31 = arith.constant 632 : i32
      %mul3A_32 = arith.muli %arg1, %mul3A_31 : i32
      %mul3A_33 = arith.constant 128 : i32
      %mul3A_34 = arith.muli %scan3A_30, %mul3A_33 : i32
      %add3A_35 = arith.addi %mul3A_32, %mul3A_34 : i32
      "tpu.region"() ({
        %run_scoped3A = tpu.sem_alloc : memref<!tpu.dma_semaphore, #tpu.memory_space<semaphore_mem>>
        %dma_start3A_36 = arith.constant 0 : i32
        %dma_start3A_37 = tpu.memref_slice %arg9[%add3A_35, %dma_start3A_36] : memref<10112x128xf32, #tpu.memory_space<vmem_shared>> -> memref<128x128xf32, #tpu.memory_space<vmem_shared>>
        %dma_start3A_38 = arith.constant 0 : i32
        %dma_start3A_39 = tpu.memref_slice %arg9[%add3A_35, %dma_start3A_38] : memref<10112x128xf32, #tpu.memory_space<vmem_shared>> -> memref<128x128xf32, #tpu.memory_space<vmem_shared>>
        tpu.enqueue_dma source(%arg8 : memref<128x128xf32, #tpu.memory_space<vmem>>) target(%dma_start3A_39 : memref<128x128xf32, #tpu.memory_space<vmem_shared>>) target_semaphore(%run_scoped3A : memref<!tpu.dma_semaphore, #tpu.memory_space<semaphore_mem>>)
        %dma_wait3A_40 = arith.constant 0 : i32
        %dma_wait3A_41 = tpu.memref_slice %arg9[%add3A_35, %dma_wait3A_40] : memref<10112x128xf32, #tpu.memory_space<vmem_shared>> -> memref<128x128xf32, #tpu.memory_space<vmem_shared>>
        %dma_wait3A_42 = arith.constant 0 : i32
        %dma_wait3A_43 = tpu.memref_slice %arg9[%add3A_35, %dma_wait3A_42] : memref<10112x128xf32, #tpu.memory_space<vmem_shared>> -> memref<128x128xf32, #tpu.memory_space<vmem_shared>>
        tpu.wait_dma2 semaphore(%run_scoped3A : memref<!tpu.dma_semaphore, #tpu.memory_space<semaphore_mem>>) src(%arg8 : memref<128x128xf32, #tpu.memory_space<vmem>>) dst(%dma_wait3A_43 : memref<128x128xf32, #tpu.memory_space<vmem_shared>>)
        tpu.yield
      }) : () -> ()
    }
    %scan3A_4 = arith.constant 4 : i32
    %mul3A = arith.constant 632 : i32
    %mul3A_5 = arith.muli %arg1, %mul3A : i32
    %add3A = arith.constant 512 : i32
    %add3A_6 = arith.addi %mul3A_5, %add3A : i32
    "tpu.region"() ({
      %run_scoped3A = tpu.sem_alloc : memref<!tpu.dma_semaphore, #tpu.memory_space<semaphore_mem>>
      %dma_start3A_30 = arith.constant 0 : i32
      %dma_start3A_31 = arith.constant 0 : i32
      %dma_start3A_32 = tpu.memref_slice %arg8[%dma_start3A_30, %dma_start3A_31] : memref<128x128xf32, #tpu.memory_space<vmem>> -> memref<120x128xf32, #tpu.memory_space<vmem>>
      %dma_start3A_33 = arith.constant 0 : i32
      %dma_start3A_34 = tpu.memref_slice %arg9[%add3A_6, %dma_start3A_33] : memref<10112x128xf32, #tpu.memory_space<vmem_shared>> -> memref<120x128xf32, #tpu.memory_space<vmem_shared>>
      %dma_start3A_35 = arith.constant 0 : i32
      %dma_start3A_36 = tpu.memref_slice %arg9[%add3A_6, %dma_start3A_35] : memref<10112x128xf32, #tpu.memory_space<vmem_shared>> -> memref<120x128xf32, #tpu.memory_space<vmem_shared>>
      %dma_start3A_37 = arith.constant 0 : i32
      %dma_start3A_38 = arith.constant 0 : i32
      %dma_start3A_39 = tpu.memref_slice %arg8[%dma_start3A_37, %dma_start3A_38] : memref<128x128xf32, #tpu.memory_space<vmem>> -> memref<120x128xf32, #tpu.memory_space<vmem>>
      tpu.enqueue_dma source(%dma_start3A_39 : memref<120x128xf32, #tpu.memory_space<vmem>>) target(%dma_start3A_36 : memref<120x128xf32, #tpu.memory_space<vmem_shared>>) target_semaphore(%run_scoped3A : memref<!tpu.dma_semaphore, #tpu.memory_space<semaphore_mem>>)
      %dma_wait3A_40 = arith.constant 0 : i32
      %dma_wait3A_41 = arith.constant 0 : i32
      %dma_wait3A_42 = tpu.memref_slice %arg8[%dma_wait3A_40, %dma_wait3A_41] : memref<128x128xf32, #tpu.memory_space<vmem>> -> memref<120x128xf32, #tpu.memory_space<vmem>>
      %dma_wait3A_43 = arith.constant 0 : i32
      %dma_wait3A_44 = tpu.memref_slice %arg9[%add3A_6, %dma_wait3A_43] : memref<10112x128xf32, #tpu.memory_space<vmem_shared>> -> memref<120x128xf32, #tpu.memory_space<vmem_shared>>
      %dma_wait3A_45 = arith.constant 0 : i32
      %dma_wait3A_46 = tpu.memref_slice %arg9[%add3A_6, %dma_wait3A_45] : memref<10112x128xf32, #tpu.memory_space<vmem_shared>> -> memref<120x128xf32, #tpu.memory_space<vmem_shared>>
      %dma_wait3A_47 = arith.constant 0 : i32
      %dma_wait3A_48 = arith.constant 0 : i32
      %dma_wait3A_49 = tpu.memref_slice %arg8[%dma_wait3A_47, %dma_wait3A_48] : memref<128x128xf32, #tpu.memory_space<vmem>> -> memref<120x128xf32, #tpu.memory_space<vmem>>
      tpu.wait_dma2 semaphore(%run_scoped3A : memref<!tpu.dma_semaphore, #tpu.memory_space<semaphore_mem>>) src(%dma_wait3A_49 : memref<120x128xf32, #tpu.memory_space<vmem>>) dst(%dma_wait3A_46 : memref<120x128xf32, #tpu.memory_space<vmem_shared>>)
      tpu.yield
    }) : () -> ()
    %barrier3A = arith.constant 0 : index
    tpu.barrier barrier_id(%barrier3A)
    %mul3A_7 = arith.constant 16 : i32
    %mul3A_8 = arith.muli %arg0, %mul3A_7 : i32
    %add3A_9 = arith.addi %mul3A_8, %arg1 : i32
    %mul3A_10 = arith.constant 10368 : i32
    %mul3A_11 = arith.muli %add3A_9, %mul3A_10 : i32
    %dma_start3A = tpu.memref_slice %arg2[%mul3A_11] : memref<331776xi32, #tpu.memory_space<hbm>> -> memref<128xi32, #tpu.memory_space<hbm>>
    %dma_start3A_12 = tpu.memref_slice %arg2[%mul3A_11] : memref<331776xi32, #tpu.memory_space<hbm>> -> memref<128xi32, #tpu.memory_space<hbm>>
    tpu.enqueue_dma source(%dma_start3A_12 : memref<128xi32, #tpu.memory_space<hbm>>) target(%arg5 : memref<128xi32, #tpu.memory_space<vmem>>) target_semaphore(%arg10 : memref<!tpu.dma_semaphore, #tpu.memory_space<semaphore_mem>>)
    %scan3A_13 = arith.constant 0 : i32
    %scan3A_14 = arith.constant 0 : i32
    %scan3A_15 = arith.constant 40 : i32
    %scan3A_16 = arith.addi %scan3A_14, %scan3A_15 : i32
    %scan3A_17 = arith.constant 1 : i32
    scf.for %scan3A_30 = %scan3A_14 to %scan3A_16 step %scan3A_17  : i32 {
      %mul3A_31 = arith.constant 2 : i32
      %mul3A_32 = arith.muli %mul3A_31, %scan3A_30 : i32
      %add3A_33 = arith.constant 0 : i32
      %add3A_34 = arith.addi %mul3A_32, %add3A_33 : i32
      %add3A_35 = arith.constant 1 : i32
      %add3A_36 = arith.addi %add3A_34, %add3A_35 : i32
      %lt3A = arith.constant 81 : i32
      %lt3A_37 = arith.cmpi slt, %add3A_36, %lt3A : i32
      %convert_element_type3A = arith.extui %lt3A_37 : i1 to i32
      %cond3A = arith.constant 0 : i32
      %cond3A_38 = arith.cmpi ne, %convert_element_type3A, %cond3A : i32
      scf.if %cond3A_38 {
        %mul3A_54 = arith.constant 128 : i32
        %mul3A_55 = arith.muli %add3A_36, %mul3A_54 : i32
        %add3A_56 = arith.addi %mul3A_11, %mul3A_55 : i32
        %dma_start3A_57 = tpu.memref_slice %arg2[%add3A_56] : memref<331776xi32, #tpu.memory_space<hbm>> -> memref<128xi32, #tpu.memory_space<hbm>>
        %dma_start3A_58 = tpu.memref_slice %arg2[%add3A_56] : memref<331776xi32, #tpu.memory_space<hbm>> -> memref<128xi32, #tpu.memory_space<hbm>>
        tpu.enqueue_dma source(%dma_start3A_58 : memref<128xi32, #tpu.memory_space<hbm>>) target(%arg6 : memref<128xi32, #tpu.memory_space<vmem>>) target_semaphore(%arg11 : memref<!tpu.dma_semaphore, #tpu.memory_space<semaphore_mem>>)
      } else {
      }
      %dma_wait3A_39 = tpu.memref_slice %arg2[%mul3A_11] : memref<331776xi32, #tpu.memory_space<hbm>> -> memref<128xi32, #tpu.memory_space<hbm>>
      %dma_wait3A_40 = tpu.memref_slice %arg2[%mul3A_11] : memref<331776xi32, #tpu.memory_space<hbm>> -> memref<128xi32, #tpu.memory_space<hbm>>
      tpu.wait_dma2 semaphore(%arg10 : memref<!tpu.dma_semaphore, #tpu.memory_space<semaphore_mem>>) src(%dma_wait3A_40 : memref<128xi32, #tpu.memory_space<hbm>>) dst(%arg5 : memref<128xi32, #tpu.memory_space<vmem>>)
      "tpu.region"() ({
        %run_scoped3A = tpu.sem_alloc : memref<!tpu.dma_semaphore, #tpu.memory_space<semaphore_mem>>
        %dma_start3A_54 = arith.constant 0 : i32
        %dma_start3A_55 = arith.constant 0 : i32
        %dma_start3A_56 = tpu.memref_slice %arg9[%dma_start3A_54, %dma_start3A_55] : memref<10112x128xf32, #tpu.memory_space<vmem_shared>> -> memref<10112x128xf32, #tpu.memory_space<vmem_shared>>
        tpu.enqueue_indirect_dma source(%arg7 : memref<128x128xf32, #tpu.memory_space<vmem>>) target(%dma_start3A_56 : memref<10112x128xf32, #tpu.memory_space<vmem_shared>>) offsets(%arg5 : memref<128xi32, #tpu.memory_space<vmem>>) semaphore(%run_scoped3A : memref<!tpu.dma_semaphore, #tpu.memory_space<semaphore_mem>>) {add = true}
        %dma_wait3A_57 = arith.constant 0 : i32
        %dma_wait3A_58 = arith.constant 0 : i32
        %dma_wait3A_59 = tpu.memref_slice %arg9[%dma_wait3A_57, %dma_wait3A_58] : memref<10112x128xf32, #tpu.memory_space<vmem_shared>> -> memref<10112x128xf32, #tpu.memory_space<vmem_shared>>
        tpu.wait_indirect_dma semaphore(%run_scoped3A : memref<!tpu.dma_semaphore, #tpu.memory_space<semaphore_mem>>) src(%arg7 : memref<128x128xf32, #tpu.memory_space<vmem>>) dst(%dma_wait3A_59 : memref<10112x128xf32, #tpu.memory_space<vmem_shared>>)
        tpu.yield
      }) : () -> ()
      %mul3A_41 = arith.constant 2 : i32
      %mul3A_42 = arith.muli %mul3A_41, %scan3A_30 : i32
      %add3A_43 = arith.constant 1 : i32
      %add3A_44 = arith.addi %mul3A_42, %add3A_43 : i32
      %add3A_45 = arith.constant 1 : i32
      %add3A_46 = arith.addi %add3A_44, %add3A_45 : i32
      %lt3A_47 = arith.constant 81 : i32
      %lt3A_48 = arith.cmpi slt, %add3A_46, %lt3A_47 : i32
      %convert_element_type3A_49 = arith.extui %lt3A_48 : i1 to i32
      %cond3A_50 = arith.constant 0 : i32
      %cond3A_51 = arith.cmpi ne, %convert_element_type3A_49, %cond3A_50 : i32
      scf.if %cond3A_51 {
        %mul3A_54 = arith.constant 128 : i32
        %mul3A_55 = arith.muli %add3A_46, %mul3A_54 : i32
        %add3A_56 = arith.addi %mul3A_11, %mul3A_55 : i32
        %dma_start3A_57 = tpu.memref_slice %arg2[%add3A_56] : memref<331776xi32, #tpu.memory_space<hbm>> -> memref<128xi32, #tpu.memory_space<hbm>>
        %dma_start3A_58 = tpu.memref_slice %arg2[%add3A_56] : memref<331776xi32, #tpu.memory_space<hbm>> -> memref<128xi32, #tpu.memory_space<hbm>>
        tpu.enqueue_dma source(%dma_start3A_58 : memref<128xi32, #tpu.memory_space<hbm>>) target(%arg5 : memref<128xi32, #tpu.memory_space<vmem>>) target_semaphore(%arg10 : memref<!tpu.dma_semaphore, #tpu.memory_space<semaphore_mem>>)
      } else {
      }
      %dma_wait3A_52 = tpu.memref_slice %arg2[%mul3A_11] : memref<331776xi32, #tpu.memory_space<hbm>> -> memref<128xi32, #tpu.memory_space<hbm>>
      %dma_wait3A_53 = tpu.memref_slice %arg2[%mul3A_11] : memref<331776xi32, #tpu.memory_space<hbm>> -> memref<128xi32, #tpu.memory_space<hbm>>
      tpu.wait_dma2 semaphore(%arg11 : memref<!tpu.dma_semaphore, #tpu.memory_space<semaphore_mem>>) src(%dma_wait3A_53 : memref<128xi32, #tpu.memory_space<hbm>>) dst(%arg6 : memref<128xi32, #tpu.memory_space<vmem>>)
      "tpu.region"() ({
        %run_scoped3A = tpu.sem_alloc : memref<!tpu.dma_semaphore, #tpu.memory_space<semaphore_mem>>
        %dma_start3A_54 = arith.constant 0 : i32
        %dma_start3A_55 = arith.constant 0 : i32
        %dma_start3A_56 = tpu.memref_slice %arg9[%dma_start3A_54, %dma_start3A_55] : memref<10112x128xf32, #tpu.memory_space<vmem_shared>> -> memref<10112x128xf32, #tpu.memory_space<vmem_shared>>
        tpu.enqueue_indirect_dma source(%arg7 : memref<128x128xf32, #tpu.memory_space<vmem>>) target(%dma_start3A_56 : memref<10112x128xf32, #tpu.memory_space<vmem_shared>>) offsets(%arg6 : memref<128xi32, #tpu.memory_space<vmem>>) semaphore(%run_scoped3A : memref<!tpu.dma_semaphore, #tpu.memory_space<semaphore_mem>>) {add = true}
        %dma_wait3A_57 = arith.constant 0 : i32
        %dma_wait3A_58 = arith.constant 0 : i32
        %dma_wait3A_59 = tpu.memref_slice %arg9[%dma_wait3A_57, %dma_wait3A_58] : memref<10112x128xf32, #tpu.memory_space<vmem_shared>> -> memref<10112x128xf32, #tpu.memory_space<vmem_shared>>
        tpu.wait_indirect_dma semaphore(%run_scoped3A : memref<!tpu.dma_semaphore, #tpu.memory_space<semaphore_mem>>) src(%arg7 : memref<128x128xf32, #tpu.memory_space<vmem>>) dst(%dma_wait3A_59 : memref<10112x128xf32, #tpu.memory_space<vmem_shared>>)
        tpu.yield
      }) : () -> ()
    }
    %scan3A_18 = arith.constant 40 : i32
    %dma_wait3A = tpu.memref_slice %arg2[%mul3A_11] : memref<331776xi32, #tpu.memory_space<hbm>> -> memref<128xi32, #tpu.memory_space<hbm>>
    %dma_wait3A_19 = tpu.memref_slice %arg2[%mul3A_11] : memref<331776xi32, #tpu.memory_space<hbm>> -> memref<128xi32, #tpu.memory_space<hbm>>
    tpu.wait_dma2 semaphore(%arg10 : memref<!tpu.dma_semaphore, #tpu.memory_space<semaphore_mem>>) src(%dma_wait3A_19 : memref<128xi32, #tpu.memory_space<hbm>>) dst(%arg5 : memref<128xi32, #tpu.memory_space<vmem>>)
    "tpu.region"() ({
      %run_scoped3A = tpu.sem_alloc : memref<!tpu.dma_semaphore, #tpu.memory_space<semaphore_mem>>
      %dma_start3A_30 = arith.constant 0 : i32
      %dma_start3A_31 = arith.constant 0 : i32
      %dma_start3A_32 = tpu.memref_slice %arg9[%dma_start3A_30, %dma_start3A_31] : memref<10112x128xf32, #tpu.memory_space<vmem_shared>> -> memref<10112x128xf32, #tpu.memory_space<vmem_shared>>
      tpu.enqueue_indirect_dma source(%arg7 : memref<128x128xf32, #tpu.memory_space<vmem>>) target(%dma_start3A_32 : memref<10112x128xf32, #tpu.memory_space<vmem_shared>>) offsets(%arg5 : memref<128xi32, #tpu.memory_space<vmem>>) semaphore(%run_scoped3A : memref<!tpu.dma_semaphore, #tpu.memory_space<semaphore_mem>>) {add = true}
      %dma_wait3A_33 = arith.constant 0 : i32
      %dma_wait3A_34 = arith.constant 0 : i32
      %dma_wait3A_35 = tpu.memref_slice %arg9[%dma_wait3A_33, %dma_wait3A_34] : memref<10112x128xf32, #tpu.memory_space<vmem_shared>> -> memref<10112x128xf32, #tpu.memory_space<vmem_shared>>
      tpu.wait_indirect_dma semaphore(%run_scoped3A : memref<!tpu.dma_semaphore, #tpu.memory_space<semaphore_mem>>) src(%arg7 : memref<128x128xf32, #tpu.memory_space<vmem>>) dst(%dma_wait3A_35 : memref<10112x128xf32, #tpu.memory_space<vmem_shared>>)
      tpu.yield
    }) : () -> ()
    %barrier3A_20 = arith.constant 0 : index
    tpu.barrier barrier_id(%barrier3A_20)
    %scan3A_21 = arith.constant 0 : i32
    %scan3A_22 = arith.constant 0 : i32
    %scan3A_23 = arith.constant 4 : i32
    %scan3A_24 = arith.addi %scan3A_22, %scan3A_23 : i32
    %scan3A_25 = arith.constant 1 : i32
    scf.for %scan3A_30 = %scan3A_22 to %scan3A_24 step %scan3A_25  : i32 {
      %mul3A_31 = arith.constant 632 : i32
      %mul3A_32 = arith.muli %arg1, %mul3A_31 : i32
      %mul3A_33 = arith.constant 128 : i32
      %mul3A_34 = arith.muli %scan3A_30, %mul3A_33 : i32
      %add3A_35 = arith.addi %mul3A_32, %mul3A_34 : i32
      "tpu.region"() ({
        %run_scoped3A = tpu.sem_alloc : memref<!tpu.dma_semaphore, #tpu.memory_space<semaphore_mem>>
        %dma_start3A_39 = arith.constant 0 : i32
        %dma_start3A_40 = tpu.memref_slice %arg9[%add3A_35, %dma_start3A_39] : memref<10112x128xf32, #tpu.memory_space<vmem_shared>> -> memref<128x128xf32, #tpu.memory_space<vmem_shared>>
        %dma_start3A_41 = arith.constant 0 : i32
        %dma_start3A_42 = tpu.memref_slice %arg9[%add3A_35, %dma_start3A_41] : memref<10112x128xf32, #tpu.memory_space<vmem_shared>> -> memref<128x128xf32, #tpu.memory_space<vmem_shared>>
        tpu.enqueue_dma source(%dma_start3A_42 : memref<128x128xf32, #tpu.memory_space<vmem_shared>>) target(%arg8 : memref<128x128xf32, #tpu.memory_space<vmem>>) target_semaphore(%run_scoped3A : memref<!tpu.dma_semaphore, #tpu.memory_space<semaphore_mem>>)
        %dma_wait3A_43 = arith.constant 0 : i32
        %dma_wait3A_44 = tpu.memref_slice %arg9[%add3A_35, %dma_wait3A_43] : memref<10112x128xf32, #tpu.memory_space<vmem_shared>> -> memref<128x128xf32, #tpu.memory_space<vmem_shared>>
        %dma_wait3A_45 = arith.constant 0 : i32
        %dma_wait3A_46 = tpu.memref_slice %arg9[%add3A_35, %dma_wait3A_45] : memref<10112x128xf32, #tpu.memory_space<vmem_shared>> -> memref<128x128xf32, #tpu.memory_space<vmem_shared>>
        tpu.wait_dma2 semaphore(%run_scoped3A : memref<!tpu.dma_semaphore, #tpu.memory_space<semaphore_mem>>) src(%dma_wait3A_46 : memref<128x128xf32, #tpu.memory_space<vmem_shared>>) dst(%arg8 : memref<128x128xf32, #tpu.memory_space<vmem>>)
        tpu.yield
      }) : () -> ()
      %mul3A_36 = arith.constant 10112 : i32
      %mul3A_37 = arith.muli %arg0, %mul3A_36 : i32
      %add3A_38 = arith.addi %mul3A_37, %add3A_35 : i32
      "tpu.region"() ({
        %run_scoped3A = tpu.sem_alloc : memref<!tpu.dma_semaphore, #tpu.memory_space<semaphore_mem>>
        %dma_start3A_39 = arith.constant 0 : i32
        %dma_start3A_40 = tpu.memref_slice %arg4[%add3A_38, %dma_start3A_39] : memref<20224x128xf32, #tpu.memory_space<hbm>> -> memref<128x128xf32, #tpu.memory_space<hbm>>
        %dma_start3A_41 = arith.constant 0 : i32
        %dma_start3A_42 = tpu.memref_slice %arg4[%add3A_38, %dma_start3A_41] : memref<20224x128xf32, #tpu.memory_space<hbm>> -> memref<128x128xf32, #tpu.memory_space<hbm>>
        tpu.enqueue_dma source(%arg8 : memref<128x128xf32, #tpu.memory_space<vmem>>) target(%dma_start3A_42 : memref<128x128xf32, #tpu.memory_space<hbm>>) target_semaphore(%run_scoped3A : memref<!tpu.dma_semaphore, #tpu.memory_space<semaphore_mem>>)
        %dma_wait3A_43 = arith.constant 0 : i32
        %dma_wait3A_44 = tpu.memref_slice %arg4[%add3A_38, %dma_wait3A_43] : memref<20224x128xf32, #tpu.memory_space<hbm>> -> memref<128x128xf32, #tpu.memory_space<hbm>>
        %dma_wait3A_45 = arith.constant 0 : i32
        %dma_wait3A_46 = tpu.memref_slice %arg4[%add3A_38, %dma_wait3A_45] : memref<20224x128xf32, #tpu.memory_space<hbm>> -> memref<128x128xf32, #tpu.memory_space<hbm>>
        tpu.wait_dma2 semaphore(%run_scoped3A : memref<!tpu.dma_semaphore, #tpu.memory_space<semaphore_mem>>) src(%arg8 : memref<128x128xf32, #tpu.memory_space<vmem>>) dst(%dma_wait3A_46 : memref<128x128xf32, #tpu.memory_space<hbm>>)
        tpu.yield
      }) : () -> ()
    }
    %scan3A_26 = arith.constant 4 : i32
    "tpu.region"() ({
      %run_scoped3A = tpu.sem_alloc : memref<!tpu.dma_semaphore, #tpu.memory_space<semaphore_mem>>
      %dma_start3A_30 = arith.constant 0 : i32
      %dma_start3A_31 = arith.constant 0 : i32
      %dma_start3A_32 = tpu.memref_slice %arg8[%dma_start3A_30, %dma_start3A_31] : memref<128x128xf32, #tpu.memory_space<vmem>> -> memref<120x128xf32, #tpu.memory_space<vmem>>
      %dma_start3A_33 = arith.constant 0 : i32
      %dma_start3A_34 = tpu.memref_slice %arg9[%add3A_6, %dma_start3A_33] : memref<10112x128xf32, #tpu.memory_space<vmem_shared>> -> memref<120x128xf32, #tpu.memory_space<vmem_shared>>
      %dma_start3A_35 = arith.constant 0 : i32
      %dma_start3A_36 = arith.constant 0 : i32
      %dma_start3A_37 = tpu.memref_slice %arg8[%dma_start3A_35, %dma_start3A_36] : memref<128x128xf32, #tpu.memory_space<vmem>> -> memref<120x128xf32, #tpu.memory_space<vmem>>
      %dma_start3A_38 = arith.constant 0 : i32
      %dma_start3A_39 = tpu.memref_slice %arg9[%add3A_6, %dma_start3A_38] : memref<10112x128xf32, #tpu.memory_space<vmem_shared>> -> memref<120x128xf32, #tpu.memory_space<vmem_shared>>
      tpu.enqueue_dma source(%dma_start3A_39 : memref<120x128xf32, #tpu.memory_space<vmem_shared>>) target(%dma_start3A_37 : memref<120x128xf32, #tpu.memory_space<vmem>>) target_semaphore(%run_scoped3A : memref<!tpu.dma_semaphore, #tpu.memory_space<semaphore_mem>>)
      %dma_wait3A_40 = arith.constant 0 : i32
      %dma_wait3A_41 = arith.constant 0 : i32
      %dma_wait3A_42 = tpu.memref_slice %arg8[%dma_wait3A_40, %dma_wait3A_41] : memref<128x128xf32, #tpu.memory_space<vmem>> -> memref<120x128xf32, #tpu.memory_space<vmem>>
      %dma_wait3A_43 = arith.constant 0 : i32
      %dma_wait3A_44 = tpu.memref_slice %arg9[%add3A_6, %dma_wait3A_43] : memref<10112x128xf32, #tpu.memory_space<vmem_shared>> -> memref<120x128xf32, #tpu.memory_space<vmem_shared>>
      %dma_wait3A_45 = arith.constant 0 : i32
      %dma_wait3A_46 = arith.constant 0 : i32
      %dma_wait3A_47 = tpu.memref_slice %arg8[%dma_wait3A_45, %dma_wait3A_46] : memref<128x128xf32, #tpu.memory_space<vmem>> -> memref<120x128xf32, #tpu.memory_space<vmem>>
      %dma_wait3A_48 = arith.constant 0 : i32
      %dma_wait3A_49 = tpu.memref_slice %arg9[%add3A_6, %dma_wait3A_48] : memref<10112x128xf32, #tpu.memory_space<vmem_shared>> -> memref<120x128xf32, #tpu.memory_space<vmem_shared>>
      tpu.wait_dma2 semaphore(%run_scoped3A : memref<!tpu.dma_semaphore, #tpu.memory_space<semaphore_mem>>) src(%dma_wait3A_49 : memref<120x128xf32, #tpu.memory_space<vmem_shared>>) dst(%dma_wait3A_47 : memref<120x128xf32, #tpu.memory_space<vmem>>)
      tpu.yield
    }) : () -> ()
    %mul3A_27 = arith.constant 10112 : i32
    %mul3A_28 = arith.muli %arg0, %mul3A_27 : i32
    %add3A_29 = arith.addi %mul3A_28, %add3A_6 : i32
    "tpu.region"() ({
      %run_scoped3A = tpu.sem_alloc : memref<!tpu.dma_semaphore, #tpu.memory_space<semaphore_mem>>
      %dma_start3A_30 = arith.constant 0 : i32
      %dma_start3A_31 = arith.constant 0 : i32
      %dma_start3A_32 = tpu.memref_slice %arg8[%dma_start3A_30, %dma_start3A_31] : memref<128x128xf32, #tpu.memory_space<vmem>> -> memref<120x128xf32, #tpu.memory_space<vmem>>
      %dma_start3A_33 = arith.constant 0 : i32
      %dma_start3A_34 = tpu.memref_slice %arg4[%add3A_29, %dma_start3A_33] : memref<20224x128xf32, #tpu.memory_space<hbm>> -> memref<120x128xf32, #tpu.memory_space<hbm>>
      %dma_start3A_35 = arith.constant 0 : i32
      %dma_start3A_36 = tpu.memref_slice %arg4[%add3A_29, %dma_start3A_35] : memref<20224x128xf32, #tpu.memory_space<hbm>> -> memref<120x128xf32, #tpu.memory_space<hbm>>
      %dma_start3A_37 = arith.constant 0 : i32
      %dma_start3A_38 = arith.constant 0 : i32
      %dma_start3A_39 = tpu.memref_slice %arg8[%dma_start3A_37, %dma_start3A_38] : memref<128x128xf32, #tpu.memory_space<vmem>> -> memref<120x128xf32, #tpu.memory_space<vmem>>
      tpu.enqueue_dma source(%dma_start3A_39 : memref<120x128xf32, #tpu.memory_space<vmem>>) target(%dma_start3A_36 : memref<120x128xf32, #tpu.memory_space<hbm>>) target_semaphore(%run_scoped3A : memref<!tpu.dma_semaphore, #tpu.memory_space<semaphore_mem>>)
      %dma_wait3A_40 = arith.constant 0 : i32
      %dma_wait3A_41 = arith.constant 0 : i32
      %dma_wait3A_42 = tpu.memref_slice %arg8[%dma_wait3A_40, %dma_wait3A_41] : memref<128x128xf32, #tpu.memory_space<vmem>> -> memref<120x128xf32, #tpu.memory_space<vmem>>
      %dma_wait3A_43 = arith.constant 0 : i32
      %dma_wait3A_44 = tpu.memref_slice %arg4[%add3A_29, %dma_wait3A_43] : memref<20224x128xf32, #tpu.memory_space<hbm>> -> memref<120x128xf32, #tpu.memory_space<hbm>>
      %dma_wait3A_45 = arith.constant 0 : i32
      %dma_wait3A_46 = tpu.memref_slice %arg4[%add3A_29, %dma_wait3A_45] : memref<20224x128xf32, #tpu.memory_space<hbm>> -> memref<120x128xf32, #tpu.memory_space<hbm>>
      %dma_wait3A_47 = arith.constant 0 : i32
      %dma_wait3A_48 = arith.constant 0 : i32
      %dma_wait3A_49 = tpu.memref_slice %arg8[%dma_wait3A_47, %dma_wait3A_48] : memref<128x128xf32, #tpu.memory_space<vmem>> -> memref<120x128xf32, #tpu.memory_space<vmem>>
      tpu.wait_dma2 semaphore(%run_scoped3A : memref<!tpu.dma_semaphore, #tpu.memory_space<semaphore_mem>>) src(%dma_wait3A_49 : memref<120x128xf32, #tpu.memory_space<vmem>>) dst(%dma_wait3A_46 : memref<120x128xf32, #tpu.memory_space<hbm>>)
      tpu.yield
    }) : () -> ()
    return
  }
}

#map = affine_map<(d0, d1) -> (0, 0)>
#map1 = affine_map<(d0, d1) -> (0)>
module attributes {stable_mosaic.version = 14 : i64} {
  func.func @_agg_body(%arg0: i32, %arg1: i32, %arg2: memref<10112x128xf32, #tpu.memory_space<hbm>>, %arg3: memref<331776xi32, #tpu.memory_space<hbm>>, %arg4: memref<331776xi32, #tpu.memory_space<hbm>>, %arg5: memref<20224x128xf32, #tpu.memory_space<hbm>>, %arg6: memref<128xi32, #tpu.memory_space<vmem>>, %arg7: memref<128xi32, #tpu.memory_space<vmem>>, %arg8: memref<128xi32, #tpu.memory_space<vmem>>, %arg9: memref<128xi32, #tpu.memory_space<vmem>>, %arg10: memref<128xi32, #tpu.memory_space<vmem>>, %arg11: memref<128xi32, #tpu.memory_space<vmem>>, %arg12: memref<128x128xf32, #tpu.memory_space<vmem>>, %arg13: memref<128x128xf32, #tpu.memory_space<vmem>>, %arg14: memref<128x128xf32, #tpu.memory_space<vmem>>, %arg15: memref<10112x128xf32, #tpu.memory_space<vmem_shared>>, %arg16: memref<!tpu.dma_semaphore, #tpu.memory_space<semaphore_mem>>, %arg17: memref<!tpu.dma_semaphore, #tpu.memory_space<semaphore_mem>>, %arg18: memref<!tpu.dma_semaphore, #tpu.memory_space<semaphore_mem>>) attributes {dimension_semantics = [#tpu.dimension_semantics<core_parallel>, #tpu.dimension_semantics<subcore_parallel>], iteration_bounds = array<i64: 2, 16>, scalar_prefetch = 0 : i64, scratch_operands = 13 : i64, tpu.core_type = #tpu.core_type<sc_vector_subcore>, window_params = [{transform_indices = #map}, {transform_indices = #map1}, {transform_indices = #map1}, {transform_indices = #map}]} {
    %scan3A = arith.constant 0 : i32
    %scan3A_0 = arith.constant 0 : i32
    %scan3A_1 = arith.constant 4 : i32
    %scan3A_2 = arith.addi %scan3A_0, %scan3A_1 : i32
    %scan3A_3 = arith.constant 1 : i32
    scf.for %scan3A_41 = %scan3A_0 to %scan3A_2 step %scan3A_3  : i32 {
      %mul3A_42 = arith.constant 632 : i32
      %mul3A_43 = arith.muli %arg1, %mul3A_42 : i32
      %mul3A_44 = arith.constant 128 : i32
      %mul3A_45 = arith.muli %scan3A_41, %mul3A_44 : i32
      %add3A_46 = arith.addi %mul3A_43, %mul3A_45 : i32
      "tpu.region"() ({
        %run_scoped3A = tpu.sem_alloc : memref<!tpu.dma_semaphore, #tpu.memory_space<semaphore_mem>>
        %dma_start3A_47 = arith.constant 0 : i32
        %dma_start3A_48 = tpu.memref_slice %arg2[%add3A_46, %dma_start3A_47] : memref<10112x128xf32, #tpu.memory_space<hbm>> -> memref<128x128xf32, #tpu.memory_space<hbm>>
        %dma_start3A_49 = arith.constant 0 : i32
        %dma_start3A_50 = tpu.memref_slice %arg2[%add3A_46, %dma_start3A_49] : memref<10112x128xf32, #tpu.memory_space<hbm>> -> memref<128x128xf32, #tpu.memory_space<hbm>>
        tpu.enqueue_dma source(%dma_start3A_50 : memref<128x128xf32, #tpu.memory_space<hbm>>) target(%arg12 : memref<128x128xf32, #tpu.memory_space<vmem>>) target_semaphore(%run_scoped3A : memref<!tpu.dma_semaphore, #tpu.memory_space<semaphore_mem>>)
        %dma_wait3A = arith.constant 0 : i32
        %dma_wait3A_51 = tpu.memref_slice %arg2[%add3A_46, %dma_wait3A] : memref<10112x128xf32, #tpu.memory_space<hbm>> -> memref<128x128xf32, #tpu.memory_space<hbm>>
        %dma_wait3A_52 = arith.constant 0 : i32
        %dma_wait3A_53 = tpu.memref_slice %arg2[%add3A_46, %dma_wait3A_52] : memref<10112x128xf32, #tpu.memory_space<hbm>> -> memref<128x128xf32, #tpu.memory_space<hbm>>
        tpu.wait_dma2 semaphore(%run_scoped3A : memref<!tpu.dma_semaphore, #tpu.memory_space<semaphore_mem>>) src(%dma_wait3A_53 : memref<128x128xf32, #tpu.memory_space<hbm>>) dst(%arg12 : memref<128x128xf32, #tpu.memory_space<vmem>>)
        tpu.yield
      }) : () -> ()
      "tpu.region"() ({
        %run_scoped3A = tpu.sem_alloc : memref<!tpu.dma_semaphore, #tpu.memory_space<semaphore_mem>>
        %dma_start3A_47 = arith.constant 0 : i32
        %dma_start3A_48 = tpu.memref_slice %arg15[%add3A_46, %dma_start3A_47] : memref<10112x128xf32, #tpu.memory_space<vmem_shared>> -> memref<128x128xf32, #tpu.memory_space<vmem_shared>>
        %dma_start3A_49 = arith.constant 0 : i32
        %dma_start3A_50 = tpu.memref_slice %arg15[%add3A_46, %dma_start3A_49] : memref<10112x128xf32, #tpu.memory_space<vmem_shared>> -> memref<128x128xf32, #tpu.memory_space<vmem_shared>>
        tpu.enqueue_dma source(%arg12 : memref<128x128xf32, #tpu.memory_space<vmem>>) target(%dma_start3A_50 : memref<128x128xf32, #tpu.memory_space<vmem_shared>>) target_semaphore(%run_scoped3A : memref<!tpu.dma_semaphore, #tpu.memory_space<semaphore_mem>>)
        %dma_wait3A = arith.constant 0 : i32
        %dma_wait3A_51 = tpu.memref_slice %arg15[%add3A_46, %dma_wait3A] : memref<10112x128xf32, #tpu.memory_space<vmem_shared>> -> memref<128x128xf32, #tpu.memory_space<vmem_shared>>
        %dma_wait3A_52 = arith.constant 0 : i32
        %dma_wait3A_53 = tpu.memref_slice %arg15[%add3A_46, %dma_wait3A_52] : memref<10112x128xf32, #tpu.memory_space<vmem_shared>> -> memref<128x128xf32, #tpu.memory_space<vmem_shared>>
        tpu.wait_dma2 semaphore(%run_scoped3A : memref<!tpu.dma_semaphore, #tpu.memory_space<semaphore_mem>>) src(%arg12 : memref<128x128xf32, #tpu.memory_space<vmem>>) dst(%dma_wait3A_53 : memref<128x128xf32, #tpu.memory_space<vmem_shared>>)
        tpu.yield
      }) : () -> ()
    }
    %scan3A_4 = arith.constant 4 : i32
    %mul3A = arith.constant 632 : i32
    %mul3A_5 = arith.muli %arg1, %mul3A : i32
    %add3A = arith.constant 512 : i32
    %add3A_6 = arith.addi %mul3A_5, %add3A : i32
    "tpu.region"() ({
      %run_scoped3A = tpu.sem_alloc : memref<!tpu.dma_semaphore, #tpu.memory_space<semaphore_mem>>
      %dma_start3A_41 = arith.constant 0 : i32
      %dma_start3A_42 = arith.constant 0 : i32
      %dma_start3A_43 = tpu.memref_slice %arg12[%dma_start3A_41, %dma_start3A_42] : memref<128x128xf32, #tpu.memory_space<vmem>> -> memref<120x128xf32, #tpu.memory_space<vmem>>
      %dma_start3A_44 = arith.constant 0 : i32
      %dma_start3A_45 = tpu.memref_slice %arg2[%add3A_6, %dma_start3A_44] : memref<10112x128xf32, #tpu.memory_space<hbm>> -> memref<120x128xf32, #tpu.memory_space<hbm>>
      %dma_start3A_46 = arith.constant 0 : i32
      %dma_start3A_47 = arith.constant 0 : i32
      %dma_start3A_48 = tpu.memref_slice %arg12[%dma_start3A_46, %dma_start3A_47] : memref<128x128xf32, #tpu.memory_space<vmem>> -> memref<120x128xf32, #tpu.memory_space<vmem>>
      %dma_start3A_49 = arith.constant 0 : i32
      %dma_start3A_50 = tpu.memref_slice %arg2[%add3A_6, %dma_start3A_49] : memref<10112x128xf32, #tpu.memory_space<hbm>> -> memref<120x128xf32, #tpu.memory_space<hbm>>
      tpu.enqueue_dma source(%dma_start3A_50 : memref<120x128xf32, #tpu.memory_space<hbm>>) target(%dma_start3A_48 : memref<120x128xf32, #tpu.memory_space<vmem>>) target_semaphore(%run_scoped3A : memref<!tpu.dma_semaphore, #tpu.memory_space<semaphore_mem>>)
      %dma_wait3A = arith.constant 0 : i32
      %dma_wait3A_51 = arith.constant 0 : i32
      %dma_wait3A_52 = tpu.memref_slice %arg12[%dma_wait3A, %dma_wait3A_51] : memref<128x128xf32, #tpu.memory_space<vmem>> -> memref<120x128xf32, #tpu.memory_space<vmem>>
      %dma_wait3A_53 = arith.constant 0 : i32
      %dma_wait3A_54 = tpu.memref_slice %arg2[%add3A_6, %dma_wait3A_53] : memref<10112x128xf32, #tpu.memory_space<hbm>> -> memref<120x128xf32, #tpu.memory_space<hbm>>
      %dma_wait3A_55 = arith.constant 0 : i32
      %dma_wait3A_56 = arith.constant 0 : i32
      %dma_wait3A_57 = tpu.memref_slice %arg12[%dma_wait3A_55, %dma_wait3A_56] : memref<128x128xf32, #tpu.memory_space<vmem>> -> memref<120x128xf32, #tpu.memory_space<vmem>>
      %dma_wait3A_58 = arith.constant 0 : i32
      %dma_wait3A_59 = tpu.memref_slice %arg2[%add3A_6, %dma_wait3A_58] : memref<10112x128xf32, #tpu.memory_space<hbm>> -> memref<120x128xf32, #tpu.memory_space<hbm>>
      tpu.wait_dma2 semaphore(%run_scoped3A : memref<!tpu.dma_semaphore, #tpu.memory_space<semaphore_mem>>) src(%dma_wait3A_59 : memref<120x128xf32, #tpu.memory_space<hbm>>) dst(%dma_wait3A_57 : memref<120x128xf32, #tpu.memory_space<vmem>>)
      tpu.yield
    }) : () -> ()
    "tpu.region"() ({
      %run_scoped3A = tpu.sem_alloc : memref<!tpu.dma_semaphore, #tpu.memory_space<semaphore_mem>>
      %dma_start3A_41 = arith.constant 0 : i32
      %dma_start3A_42 = arith.constant 0 : i32
      %dma_start3A_43 = tpu.memref_slice %arg12[%dma_start3A_41, %dma_start3A_42] : memref<128x128xf32, #tpu.memory_space<vmem>> -> memref<120x128xf32, #tpu.memory_space<vmem>>
      %dma_start3A_44 = arith.constant 0 : i32
      %dma_start3A_45 = tpu.memref_slice %arg15[%add3A_6, %dma_start3A_44] : memref<10112x128xf32, #tpu.memory_space<vmem_shared>> -> memref<120x128xf32, #tpu.memory_space<vmem_shared>>
      %dma_start3A_46 = arith.constant 0 : i32
      %dma_start3A_47 = tpu.memref_slice %arg15[%add3A_6, %dma_start3A_46] : memref<10112x128xf32, #tpu.memory_space<vmem_shared>> -> memref<120x128xf32, #tpu.memory_space<vmem_shared>>
      %dma_start3A_48 = arith.constant 0 : i32
      %dma_start3A_49 = arith.constant 0 : i32
      %dma_start3A_50 = tpu.memref_slice %arg12[%dma_start3A_48, %dma_start3A_49] : memref<128x128xf32, #tpu.memory_space<vmem>> -> memref<120x128xf32, #tpu.memory_space<vmem>>
      tpu.enqueue_dma source(%dma_start3A_50 : memref<120x128xf32, #tpu.memory_space<vmem>>) target(%dma_start3A_47 : memref<120x128xf32, #tpu.memory_space<vmem_shared>>) target_semaphore(%run_scoped3A : memref<!tpu.dma_semaphore, #tpu.memory_space<semaphore_mem>>)
      %dma_wait3A = arith.constant 0 : i32
      %dma_wait3A_51 = arith.constant 0 : i32
      %dma_wait3A_52 = tpu.memref_slice %arg12[%dma_wait3A, %dma_wait3A_51] : memref<128x128xf32, #tpu.memory_space<vmem>> -> memref<120x128xf32, #tpu.memory_space<vmem>>
      %dma_wait3A_53 = arith.constant 0 : i32
      %dma_wait3A_54 = tpu.memref_slice %arg15[%add3A_6, %dma_wait3A_53] : memref<10112x128xf32, #tpu.memory_space<vmem_shared>> -> memref<120x128xf32, #tpu.memory_space<vmem_shared>>
      %dma_wait3A_55 = arith.constant 0 : i32
      %dma_wait3A_56 = tpu.memref_slice %arg15[%add3A_6, %dma_wait3A_55] : memref<10112x128xf32, #tpu.memory_space<vmem_shared>> -> memref<120x128xf32, #tpu.memory_space<vmem_shared>>
      %dma_wait3A_57 = arith.constant 0 : i32
      %dma_wait3A_58 = arith.constant 0 : i32
      %dma_wait3A_59 = tpu.memref_slice %arg12[%dma_wait3A_57, %dma_wait3A_58] : memref<128x128xf32, #tpu.memory_space<vmem>> -> memref<120x128xf32, #tpu.memory_space<vmem>>
      tpu.wait_dma2 semaphore(%run_scoped3A : memref<!tpu.dma_semaphore, #tpu.memory_space<semaphore_mem>>) src(%dma_wait3A_59 : memref<120x128xf32, #tpu.memory_space<vmem>>) dst(%dma_wait3A_56 : memref<120x128xf32, #tpu.memory_space<vmem_shared>>)
      tpu.yield
    }) : () -> ()
    %barrier3A = arith.constant 0 : index
    tpu.barrier barrier_id(%barrier3A)
    %mul3A_7 = arith.constant 16 : i32
    %mul3A_8 = arith.muli %arg0, %mul3A_7 : i32
    %add3A_9 = arith.addi %mul3A_8, %arg1 : i32
    %mul3A_10 = arith.constant 10368 : i32
    %mul3A_11 = arith.muli %add3A_9, %mul3A_10 : i32
    %add3A_12 = arith.constant 0 : i32
    %add3A_13 = arith.addi %mul3A_11, %add3A_12 : i32
    "tpu.region"() ({
      %run_scoped3A = tpu.sem_alloc : memref<!tpu.dma_semaphore, #tpu.memory_space<semaphore_mem>>
      %dma_start3A_41 = tpu.memref_slice %arg3[%add3A_13] : memref<331776xi32, #tpu.memory_space<hbm>> -> memref<128xi32, #tpu.memory_space<hbm>>
      %dma_start3A_42 = tpu.memref_slice %arg3[%add3A_13] : memref<331776xi32, #tpu.memory_space<hbm>> -> memref<128xi32, #tpu.memory_space<hbm>>
      tpu.enqueue_dma source(%dma_start3A_42 : memref<128xi32, #tpu.memory_space<hbm>>) target(%arg6 : memref<128xi32, #tpu.memory_space<vmem>>) target_semaphore(%run_scoped3A : memref<!tpu.dma_semaphore, #tpu.memory_space<semaphore_mem>>)
      %dma_wait3A = tpu.memref_slice %arg3[%add3A_13] : memref<331776xi32, #tpu.memory_space<hbm>> -> memref<128xi32, #tpu.memory_space<hbm>>
      %dma_wait3A_43 = tpu.memref_slice %arg3[%add3A_13] : memref<331776xi32, #tpu.memory_space<hbm>> -> memref<128xi32, #tpu.memory_space<hbm>>
      tpu.wait_dma2 semaphore(%run_scoped3A : memref<!tpu.dma_semaphore, #tpu.memory_space<semaphore_mem>>) src(%dma_wait3A_43 : memref<128xi32, #tpu.memory_space<hbm>>) dst(%arg6 : memref<128xi32, #tpu.memory_space<vmem>>)
      tpu.yield
    }) : () -> ()
    %add3A_14 = arith.constant 0 : i32
    %add3A_15 = arith.addi %mul3A_11, %add3A_14 : i32
    "tpu.region"() ({
      %run_scoped3A = tpu.sem_alloc : memref<!tpu.dma_semaphore, #tpu.memory_space<semaphore_mem>>
      %dma_start3A_41 = tpu.memref_slice %arg4[%add3A_15] : memref<331776xi32, #tpu.memory_space<hbm>> -> memref<128xi32, #tpu.memory_space<hbm>>
      %dma_start3A_42 = tpu.memref_slice %arg4[%add3A_15] : memref<331776xi32, #tpu.memory_space<hbm>> -> memref<128xi32, #tpu.memory_space<hbm>>
      tpu.enqueue_dma source(%dma_start3A_42 : memref<128xi32, #tpu.memory_space<hbm>>) target(%arg9 : memref<128xi32, #tpu.memory_space<vmem>>) target_semaphore(%run_scoped3A : memref<!tpu.dma_semaphore, #tpu.memory_space<semaphore_mem>>)
      %dma_wait3A = tpu.memref_slice %arg4[%add3A_15] : memref<331776xi32, #tpu.memory_space<hbm>> -> memref<128xi32, #tpu.memory_space<hbm>>
      %dma_wait3A_43 = tpu.memref_slice %arg4[%add3A_15] : memref<331776xi32, #tpu.memory_space<hbm>> -> memref<128xi32, #tpu.memory_space<hbm>>
      tpu.wait_dma2 semaphore(%run_scoped3A : memref<!tpu.dma_semaphore, #tpu.memory_space<semaphore_mem>>) src(%dma_wait3A_43 : memref<128xi32, #tpu.memory_space<hbm>>) dst(%arg9 : memref<128xi32, #tpu.memory_space<vmem>>)
      tpu.yield
    }) : () -> ()
    %dma_start3A = arith.constant 0 : i32
    %dma_start3A_16 = arith.constant 0 : i32
    %dma_start3A_17 = tpu.memref_slice %arg2[%dma_start3A, %dma_start3A_16] : memref<10112x128xf32, #tpu.memory_space<hbm>> -> memref<10112x128xf32, #tpu.memory_space<hbm>>
    tpu.enqueue_indirect_dma source(%dma_start3A_17 : memref<10112x128xf32, #tpu.memory_space<hbm>>) target(%arg12 : memref<128x128xf32, #tpu.memory_space<vmem>>) offsets(%arg6 : memref<128xi32, #tpu.memory_space<vmem>>) semaphore(%arg16 : memref<!tpu.dma_semaphore, #tpu.memory_space<semaphore_mem>>)
    %add3A_18 = arith.constant 128 : i32
    %add3A_19 = arith.addi %mul3A_11, %add3A_18 : i32
    "tpu.region"() ({
      %run_scoped3A = tpu.sem_alloc : memref<!tpu.dma_semaphore, #tpu.memory_space<semaphore_mem>>
      %dma_start3A_41 = tpu.memref_slice %arg3[%add3A_19] : memref<331776xi32, #tpu.memory_space<hbm>> -> memref<128xi32, #tpu.memory_space<hbm>>
      %dma_start3A_42 = tpu.memref_slice %arg3[%add3A_19] : memref<331776xi32, #tpu.memory_space<hbm>> -> memref<128xi32, #tpu.memory_space<hbm>>
      tpu.enqueue_dma source(%dma_start3A_42 : memref<128xi32, #tpu.memory_space<hbm>>) target(%arg7 : memref<128xi32, #tpu.memory_space<vmem>>) target_semaphore(%run_scoped3A : memref<!tpu.dma_semaphore, #tpu.memory_space<semaphore_mem>>)
      %dma_wait3A = tpu.memref_slice %arg3[%add3A_19] : memref<331776xi32, #tpu.memory_space<hbm>> -> memref<128xi32, #tpu.memory_space<hbm>>
      %dma_wait3A_43 = tpu.memref_slice %arg3[%add3A_19] : memref<331776xi32, #tpu.memory_space<hbm>> -> memref<128xi32, #tpu.memory_space<hbm>>
      tpu.wait_dma2 semaphore(%run_scoped3A : memref<!tpu.dma_semaphore, #tpu.memory_space<semaphore_mem>>) src(%dma_wait3A_43 : memref<128xi32, #tpu.memory_space<hbm>>) dst(%arg7 : memref<128xi32, #tpu.memory_space<vmem>>)
      tpu.yield
    }) : () -> ()
    %add3A_20 = arith.constant 128 : i32
    %add3A_21 = arith.addi %mul3A_11, %add3A_20 : i32
    "tpu.region"() ({
      %run_scoped3A = tpu.sem_alloc : memref<!tpu.dma_semaphore, #tpu.memory_space<semaphore_mem>>
      %dma_start3A_41 = tpu.memref_slice %arg4[%add3A_21] : memref<331776xi32, #tpu.memory_space<hbm>> -> memref<128xi32, #tpu.memory_space<hbm>>
      %dma_start3A_42 = tpu.memref_slice %arg4[%add3A_21] : memref<331776xi32, #tpu.memory_space<hbm>> -> memref<128xi32, #tpu.memory_space<hbm>>
      tpu.enqueue_dma source(%dma_start3A_42 : memref<128xi32, #tpu.memory_space<hbm>>) target(%arg10 : memref<128xi32, #tpu.memory_space<vmem>>) target_semaphore(%run_scoped3A : memref<!tpu.dma_semaphore, #tpu.memory_space<semaphore_mem>>)
      %dma_wait3A = tpu.memref_slice %arg4[%add3A_21] : memref<331776xi32, #tpu.memory_space<hbm>> -> memref<128xi32, #tpu.memory_space<hbm>>
      %dma_wait3A_43 = tpu.memref_slice %arg4[%add3A_21] : memref<331776xi32, #tpu.memory_space<hbm>> -> memref<128xi32, #tpu.memory_space<hbm>>
      tpu.wait_dma2 semaphore(%run_scoped3A : memref<!tpu.dma_semaphore, #tpu.memory_space<semaphore_mem>>) src(%dma_wait3A_43 : memref<128xi32, #tpu.memory_space<hbm>>) dst(%arg10 : memref<128xi32, #tpu.memory_space<vmem>>)
      tpu.yield
    }) : () -> ()
    %dma_start3A_22 = arith.constant 0 : i32
    %dma_start3A_23 = arith.constant 0 : i32
    %dma_start3A_24 = tpu.memref_slice %arg2[%dma_start3A_22, %dma_start3A_23] : memref<10112x128xf32, #tpu.memory_space<hbm>> -> memref<10112x128xf32, #tpu.memory_space<hbm>>
    tpu.enqueue_indirect_dma source(%dma_start3A_24 : memref<10112x128xf32, #tpu.memory_space<hbm>>) target(%arg13 : memref<128x128xf32, #tpu.memory_space<vmem>>) offsets(%arg7 : memref<128xi32, #tpu.memory_space<vmem>>) semaphore(%arg17 : memref<!tpu.dma_semaphore, #tpu.memory_space<semaphore_mem>>)
    %scan3A_25 = arith.constant 0 : i32
    %scan3A_26 = arith.constant 0 : i32
    %scan3A_27 = arith.constant 27 : i32
    %scan3A_28 = arith.addi %scan3A_26, %scan3A_27 : i32
    %scan3A_29 = arith.constant 1 : i32
    scf.for %scan3A_41 = %scan3A_26 to %scan3A_28 step %scan3A_29  : i32 {
      %mul3A_42 = arith.constant 3 : i32
      %mul3A_43 = arith.muli %mul3A_42, %scan3A_41 : i32
      %add3A_44 = arith.constant 0 : i32
      %add3A_45 = arith.addi %mul3A_43, %add3A_44 : i32
      %add3A_46 = arith.constant 2 : i32
      %add3A_47 = arith.addi %add3A_45, %add3A_46 : i32
      %lt3A = arith.constant 81 : i32
      %lt3A_48 = arith.cmpi slt, %add3A_47, %lt3A : i32
      %convert_element_type3A = arith.extui %lt3A_48 : i1 to i32
      %cond3A = arith.constant 0 : i32
      %cond3A_49 = arith.cmpi ne, %convert_element_type3A, %cond3A : i32
      scf.if %cond3A_49 {
        %mul3A_80 = arith.constant 128 : i32
        %mul3A_81 = arith.muli %add3A_47, %mul3A_80 : i32
        %add3A_82 = arith.addi %mul3A_11, %mul3A_81 : i32
        "tpu.region"() ({
          %run_scoped3A = tpu.sem_alloc : memref<!tpu.dma_semaphore, #tpu.memory_space<semaphore_mem>>
          %dma_start3A_86 = tpu.memref_slice %arg3[%add3A_82] : memref<331776xi32, #tpu.memory_space<hbm>> -> memref<128xi32, #tpu.memory_space<hbm>>
          %dma_start3A_87 = tpu.memref_slice %arg3[%add3A_82] : memref<331776xi32, #tpu.memory_space<hbm>> -> memref<128xi32, #tpu.memory_space<hbm>>
          tpu.enqueue_dma source(%dma_start3A_87 : memref<128xi32, #tpu.memory_space<hbm>>) target(%arg8 : memref<128xi32, #tpu.memory_space<vmem>>) target_semaphore(%run_scoped3A : memref<!tpu.dma_semaphore, #tpu.memory_space<semaphore_mem>>)
          %dma_wait3A_88 = tpu.memref_slice %arg3[%add3A_82] : memref<331776xi32, #tpu.memory_space<hbm>> -> memref<128xi32, #tpu.memory_space<hbm>>
          %dma_wait3A_89 = tpu.memref_slice %arg3[%add3A_82] : memref<331776xi32, #tpu.memory_space<hbm>> -> memref<128xi32, #tpu.memory_space<hbm>>
          tpu.wait_dma2 semaphore(%run_scoped3A : memref<!tpu.dma_semaphore, #tpu.memory_space<semaphore_mem>>) src(%dma_wait3A_89 : memref<128xi32, #tpu.memory_space<hbm>>) dst(%arg8 : memref<128xi32, #tpu.memory_space<vmem>>)
          tpu.yield
        }) : () -> ()
        "tpu.region"() ({
          %run_scoped3A = tpu.sem_alloc : memref<!tpu.dma_semaphore, #tpu.memory_space<semaphore_mem>>
          %dma_start3A_86 = tpu.memref_slice %arg4[%add3A_82] : memref<331776xi32, #tpu.memory_space<hbm>> -> memref<128xi32, #tpu.memory_space<hbm>>
          %dma_start3A_87 = tpu.memref_slice %arg4[%add3A_82] : memref<331776xi32, #tpu.memory_space<hbm>> -> memref<128xi32, #tpu.memory_space<hbm>>
          tpu.enqueue_dma source(%dma_start3A_87 : memref<128xi32, #tpu.memory_space<hbm>>) target(%arg11 : memref<128xi32, #tpu.memory_space<vmem>>) target_semaphore(%run_scoped3A : memref<!tpu.dma_semaphore, #tpu.memory_space<semaphore_mem>>)
          %dma_wait3A_88 = tpu.memref_slice %arg4[%add3A_82] : memref<331776xi32, #tpu.memory_space<hbm>> -> memref<128xi32, #tpu.memory_space<hbm>>
          %dma_wait3A_89 = tpu.memref_slice %arg4[%add3A_82] : memref<331776xi32, #tpu.memory_space<hbm>> -> memref<128xi32, #tpu.memory_space<hbm>>
          tpu.wait_dma2 semaphore(%run_scoped3A : memref<!tpu.dma_semaphore, #tpu.memory_space<semaphore_mem>>) src(%dma_wait3A_89 : memref<128xi32, #tpu.memory_space<hbm>>) dst(%arg11 : memref<128xi32, #tpu.memory_space<vmem>>)
          tpu.yield
        }) : () -> ()
        %dma_start3A_83 = arith.constant 0 : i32
        %dma_start3A_84 = arith.constant 0 : i32
        %dma_start3A_85 = tpu.memref_slice %arg2[%dma_start3A_83, %dma_start3A_84] : memref<10112x128xf32, #tpu.memory_space<hbm>> -> memref<10112x128xf32, #tpu.memory_space<hbm>>
        tpu.enqueue_indirect_dma source(%dma_start3A_85 : memref<10112x128xf32, #tpu.memory_space<hbm>>) target(%arg14 : memref<128x128xf32, #tpu.memory_space<vmem>>) offsets(%arg8 : memref<128xi32, #tpu.memory_space<vmem>>) semaphore(%arg18 : memref<!tpu.dma_semaphore, #tpu.memory_space<semaphore_mem>>)
      } else {
      }
      %dma_wait3A = arith.constant 0 : i32
      %dma_wait3A_50 = arith.constant 0 : i32
      %dma_wait3A_51 = tpu.memref_slice %arg2[%dma_wait3A, %dma_wait3A_50] : memref<10112x128xf32, #tpu.memory_space<hbm>> -> memref<10112x128xf32, #tpu.memory_space<hbm>>
      tpu.wait_indirect_dma semaphore(%arg16 : memref<!tpu.dma_semaphore, #tpu.memory_space<semaphore_mem>>) src(%dma_wait3A_51 : memref<10112x128xf32, #tpu.memory_space<hbm>>) dst(%arg12 : memref<128x128xf32, #tpu.memory_space<vmem>>)
      "tpu.region"() ({
        %run_scoped3A = tpu.sem_alloc : memref<!tpu.dma_semaphore, #tpu.memory_space<semaphore_mem>>
        %dma_start3A_80 = arith.constant 0 : i32
        %dma_start3A_81 = arith.constant 0 : i32
        %dma_start3A_82 = tpu.memref_slice %arg15[%dma_start3A_80, %dma_start3A_81] : memref<10112x128xf32, #tpu.memory_space<vmem_shared>> -> memref<10112x128xf32, #tpu.memory_space<vmem_shared>>
        tpu.enqueue_indirect_dma source(%arg12 : memref<128x128xf32, #tpu.memory_space<vmem>>) target(%dma_start3A_82 : memref<10112x128xf32, #tpu.memory_space<vmem_shared>>) offsets(%arg9 : memref<128xi32, #tpu.memory_space<vmem>>) semaphore(%run_scoped3A : memref<!tpu.dma_semaphore, #tpu.memory_space<semaphore_mem>>) {add = true}
        %dma_wait3A_83 = arith.constant 0 : i32
        %dma_wait3A_84 = arith.constant 0 : i32
        %dma_wait3A_85 = tpu.memref_slice %arg15[%dma_wait3A_83, %dma_wait3A_84] : memref<10112x128xf32, #tpu.memory_space<vmem_shared>> -> memref<10112x128xf32, #tpu.memory_space<vmem_shared>>
        tpu.wait_indirect_dma semaphore(%run_scoped3A : memref<!tpu.dma_semaphore, #tpu.memory_space<semaphore_mem>>) src(%arg12 : memref<128x128xf32, #tpu.memory_space<vmem>>) dst(%dma_wait3A_85 : memref<10112x128xf32, #tpu.memory_space<vmem_shared>>)
        tpu.yield
      }) : () -> ()
      %mul3A_52 = arith.constant 3 : i32
      %mul3A_53 = arith.muli %mul3A_52, %scan3A_41 : i32
      %add3A_54 = arith.constant 1 : i32
      %add3A_55 = arith.addi %mul3A_53, %add3A_54 : i32
      %add3A_56 = arith.constant 2 : i32
      %add3A_57 = arith.addi %add3A_55, %add3A_56 : i32
      %lt3A_58 = arith.constant 81 : i32
      %lt3A_59 = arith.cmpi slt, %add3A_57, %lt3A_58 : i32
      %convert_element_type3A_60 = arith.extui %lt3A_59 : i1 to i32
      %cond3A_61 = arith.constant 0 : i32
      %cond3A_62 = arith.cmpi ne, %convert_element_type3A_60, %cond3A_61 : i32
      scf.if %cond3A_62 {
        %mul3A_80 = arith.constant 128 : i32
        %mul3A_81 = arith.muli %add3A_57, %mul3A_80 : i32
        %add3A_82 = arith.addi %mul3A_11, %mul3A_81 : i32
        "tpu.region"() ({
          %run_scoped3A = tpu.sem_alloc : memref<!tpu.dma_semaphore, #tpu.memory_space<semaphore_mem>>
          %dma_start3A_86 = tpu.memref_slice %arg3[%add3A_82] : memref<331776xi32, #tpu.memory_space<hbm>> -> memref<128xi32, #tpu.memory_space<hbm>>
          %dma_start3A_87 = tpu.memref_slice %arg3[%add3A_82] : memref<331776xi32, #tpu.memory_space<hbm>> -> memref<128xi32, #tpu.memory_space<hbm>>
          tpu.enqueue_dma source(%dma_start3A_87 : memref<128xi32, #tpu.memory_space<hbm>>) target(%arg6 : memref<128xi32, #tpu.memory_space<vmem>>) target_semaphore(%run_scoped3A : memref<!tpu.dma_semaphore, #tpu.memory_space<semaphore_mem>>)
          %dma_wait3A_88 = tpu.memref_slice %arg3[%add3A_82] : memref<331776xi32, #tpu.memory_space<hbm>> -> memref<128xi32, #tpu.memory_space<hbm>>
          %dma_wait3A_89 = tpu.memref_slice %arg3[%add3A_82] : memref<331776xi32, #tpu.memory_space<hbm>> -> memref<128xi32, #tpu.memory_space<hbm>>
          tpu.wait_dma2 semaphore(%run_scoped3A : memref<!tpu.dma_semaphore, #tpu.memory_space<semaphore_mem>>) src(%dma_wait3A_89 : memref<128xi32, #tpu.memory_space<hbm>>) dst(%arg6 : memref<128xi32, #tpu.memory_space<vmem>>)
          tpu.yield
        }) : () -> ()
        "tpu.region"() ({
          %run_scoped3A = tpu.sem_alloc : memref<!tpu.dma_semaphore, #tpu.memory_space<semaphore_mem>>
          %dma_start3A_86 = tpu.memref_slice %arg4[%add3A_82] : memref<331776xi32, #tpu.memory_space<hbm>> -> memref<128xi32, #tpu.memory_space<hbm>>
          %dma_start3A_87 = tpu.memref_slice %arg4[%add3A_82] : memref<331776xi32, #tpu.memory_space<hbm>> -> memref<128xi32, #tpu.memory_space<hbm>>
          tpu.enqueue_dma source(%dma_start3A_87 : memref<128xi32, #tpu.memory_space<hbm>>) target(%arg9 : memref<128xi32, #tpu.memory_space<vmem>>) target_semaphore(%run_scoped3A : memref<!tpu.dma_semaphore, #tpu.memory_space<semaphore_mem>>)
          %dma_wait3A_88 = tpu.memref_slice %arg4[%add3A_82] : memref<331776xi32, #tpu.memory_space<hbm>> -> memref<128xi32, #tpu.memory_space<hbm>>
          %dma_wait3A_89 = tpu.memref_slice %arg4[%add3A_82] : memref<331776xi32, #tpu.memory_space<hbm>> -> memref<128xi32, #tpu.memory_space<hbm>>
          tpu.wait_dma2 semaphore(%run_scoped3A : memref<!tpu.dma_semaphore, #tpu.memory_space<semaphore_mem>>) src(%dma_wait3A_89 : memref<128xi32, #tpu.memory_space<hbm>>) dst(%arg9 : memref<128xi32, #tpu.memory_space<vmem>>)
          tpu.yield
        }) : () -> ()
        %dma_start3A_83 = arith.constant 0 : i32
        %dma_start3A_84 = arith.constant 0 : i32
        %dma_start3A_85 = tpu.memref_slice %arg2[%dma_start3A_83, %dma_start3A_84] : memref<10112x128xf32, #tpu.memory_space<hbm>> -> memref<10112x128xf32, #tpu.memory_space<hbm>>
        tpu.enqueue_indirect_dma source(%dma_start3A_85 : memref<10112x128xf32, #tpu.memory_space<hbm>>) target(%arg12 : memref<128x128xf32, #tpu.memory_space<vmem>>) offsets(%arg6 : memref<128xi32, #tpu.memory_space<vmem>>) semaphore(%arg16 : memref<!tpu.dma_semaphore, #tpu.memory_space<semaphore_mem>>)
      } else {
      }
      %dma_wait3A_63 = arith.constant 0 : i32
      %dma_wait3A_64 = arith.constant 0 : i32
      %dma_wait3A_65 = tpu.memref_slice %arg2[%dma_wait3A_63, %dma_wait3A_64] : memref<10112x128xf32, #tpu.memory_space<hbm>> -> memref<10112x128xf32, #tpu.memory_space<hbm>>
      tpu.wait_indirect_dma semaphore(%arg17 : memref<!tpu.dma_semaphore, #tpu.memory_space<semaphore_mem>>) src(%dma_wait3A_65 : memref<10112x128xf32, #tpu.memory_space<hbm>>) dst(%arg13 : memref<128x128xf32, #tpu.memory_space<vmem>>)
      "tpu.region"() ({
        %run_scoped3A = tpu.sem_alloc : memref<!tpu.dma_semaphore, #tpu.memory_space<semaphore_mem>>
        %dma_start3A_80 = arith.constant 0 : i32
        %dma_start3A_81 = arith.constant 0 : i32
        %dma_start3A_82 = tpu.memref_slice %arg15[%dma_start3A_80, %dma_start3A_81] : memref<10112x128xf32, #tpu.memory_space<vmem_shared>> -> memref<10112x128xf32, #tpu.memory_space<vmem_shared>>
        tpu.enqueue_indirect_dma source(%arg13 : memref<128x128xf32, #tpu.memory_space<vmem>>) target(%dma_start3A_82 : memref<10112x128xf32, #tpu.memory_space<vmem_shared>>) offsets(%arg10 : memref<128xi32, #tpu.memory_space<vmem>>) semaphore(%run_scoped3A : memref<!tpu.dma_semaphore, #tpu.memory_space<semaphore_mem>>) {add = true}
        %dma_wait3A_83 = arith.constant 0 : i32
        %dma_wait3A_84 = arith.constant 0 : i32
        %dma_wait3A_85 = tpu.memref_slice %arg15[%dma_wait3A_83, %dma_wait3A_84] : memref<10112x128xf32, #tpu.memory_space<vmem_shared>> -> memref<10112x128xf32, #tpu.memory_space<vmem_shared>>
        tpu.wait_indirect_dma semaphore(%run_scoped3A : memref<!tpu.dma_semaphore, #tpu.memory_space<semaphore_mem>>) src(%arg13 : memref<128x128xf32, #tpu.memory_space<vmem>>) dst(%dma_wait3A_85 : memref<10112x128xf32, #tpu.memory_space<vmem_shared>>)
        tpu.yield
      }) : () -> ()
      %mul3A_66 = arith.constant 3 : i32
      %mul3A_67 = arith.muli %mul3A_66, %scan3A_41 : i32
      %add3A_68 = arith.constant 2 : i32
      %add3A_69 = arith.addi %mul3A_67, %add3A_68 : i32
      %add3A_70 = arith.constant 2 : i32
      %add3A_71 = arith.addi %add3A_69, %add3A_70 : i32
      %lt3A_72 = arith.constant 81 : i32
      %lt3A_73 = arith.cmpi slt, %add3A_71, %lt3A_72 : i32
      %convert_element_type3A_74 = arith.extui %lt3A_73 : i1 to i32
      %cond3A_75 = arith.constant 0 : i32
      %cond3A_76 = arith.cmpi ne, %convert_element_type3A_74, %cond3A_75 : i32
      scf.if %cond3A_76 {
        %mul3A_80 = arith.constant 128 : i32
        %mul3A_81 = arith.muli %add3A_71, %mul3A_80 : i32
        %add3A_82 = arith.addi %mul3A_11, %mul3A_81 : i32
        "tpu.region"() ({
          %run_scoped3A = tpu.sem_alloc : memref<!tpu.dma_semaphore, #tpu.memory_space<semaphore_mem>>
          %dma_start3A_86 = tpu.memref_slice %arg3[%add3A_82] : memref<331776xi32, #tpu.memory_space<hbm>> -> memref<128xi32, #tpu.memory_space<hbm>>
          %dma_start3A_87 = tpu.memref_slice %arg3[%add3A_82] : memref<331776xi32, #tpu.memory_space<hbm>> -> memref<128xi32, #tpu.memory_space<hbm>>
          tpu.enqueue_dma source(%dma_start3A_87 : memref<128xi32, #tpu.memory_space<hbm>>) target(%arg7 : memref<128xi32, #tpu.memory_space<vmem>>) target_semaphore(%run_scoped3A : memref<!tpu.dma_semaphore, #tpu.memory_space<semaphore_mem>>)
          %dma_wait3A_88 = tpu.memref_slice %arg3[%add3A_82] : memref<331776xi32, #tpu.memory_space<hbm>> -> memref<128xi32, #tpu.memory_space<hbm>>
          %dma_wait3A_89 = tpu.memref_slice %arg3[%add3A_82] : memref<331776xi32, #tpu.memory_space<hbm>> -> memref<128xi32, #tpu.memory_space<hbm>>
          tpu.wait_dma2 semaphore(%run_scoped3A : memref<!tpu.dma_semaphore, #tpu.memory_space<semaphore_mem>>) src(%dma_wait3A_89 : memref<128xi32, #tpu.memory_space<hbm>>) dst(%arg7 : memref<128xi32, #tpu.memory_space<vmem>>)
          tpu.yield
        }) : () -> ()
        "tpu.region"() ({
          %run_scoped3A = tpu.sem_alloc : memref<!tpu.dma_semaphore, #tpu.memory_space<semaphore_mem>>
          %dma_start3A_86 = tpu.memref_slice %arg4[%add3A_82] : memref<331776xi32, #tpu.memory_space<hbm>> -> memref<128xi32, #tpu.memory_space<hbm>>
          %dma_start3A_87 = tpu.memref_slice %arg4[%add3A_82] : memref<331776xi32, #tpu.memory_space<hbm>> -> memref<128xi32, #tpu.memory_space<hbm>>
          tpu.enqueue_dma source(%dma_start3A_87 : memref<128xi32, #tpu.memory_space<hbm>>) target(%arg10 : memref<128xi32, #tpu.memory_space<vmem>>) target_semaphore(%run_scoped3A : memref<!tpu.dma_semaphore, #tpu.memory_space<semaphore_mem>>)
          %dma_wait3A_88 = tpu.memref_slice %arg4[%add3A_82] : memref<331776xi32, #tpu.memory_space<hbm>> -> memref<128xi32, #tpu.memory_space<hbm>>
          %dma_wait3A_89 = tpu.memref_slice %arg4[%add3A_82] : memref<331776xi32, #tpu.memory_space<hbm>> -> memref<128xi32, #tpu.memory_space<hbm>>
          tpu.wait_dma2 semaphore(%run_scoped3A : memref<!tpu.dma_semaphore, #tpu.memory_space<semaphore_mem>>) src(%dma_wait3A_89 : memref<128xi32, #tpu.memory_space<hbm>>) dst(%arg10 : memref<128xi32, #tpu.memory_space<vmem>>)
          tpu.yield
        }) : () -> ()
        %dma_start3A_83 = arith.constant 0 : i32
        %dma_start3A_84 = arith.constant 0 : i32
        %dma_start3A_85 = tpu.memref_slice %arg2[%dma_start3A_83, %dma_start3A_84] : memref<10112x128xf32, #tpu.memory_space<hbm>> -> memref<10112x128xf32, #tpu.memory_space<hbm>>
        tpu.enqueue_indirect_dma source(%dma_start3A_85 : memref<10112x128xf32, #tpu.memory_space<hbm>>) target(%arg13 : memref<128x128xf32, #tpu.memory_space<vmem>>) offsets(%arg7 : memref<128xi32, #tpu.memory_space<vmem>>) semaphore(%arg17 : memref<!tpu.dma_semaphore, #tpu.memory_space<semaphore_mem>>)
      } else {
      }
      %dma_wait3A_77 = arith.constant 0 : i32
      %dma_wait3A_78 = arith.constant 0 : i32
      %dma_wait3A_79 = tpu.memref_slice %arg2[%dma_wait3A_77, %dma_wait3A_78] : memref<10112x128xf32, #tpu.memory_space<hbm>> -> memref<10112x128xf32, #tpu.memory_space<hbm>>
      tpu.wait_indirect_dma semaphore(%arg18 : memref<!tpu.dma_semaphore, #tpu.memory_space<semaphore_mem>>) src(%dma_wait3A_79 : memref<10112x128xf32, #tpu.memory_space<hbm>>) dst(%arg14 : memref<128x128xf32, #tpu.memory_space<vmem>>)
      "tpu.region"() ({
        %run_scoped3A = tpu.sem_alloc : memref<!tpu.dma_semaphore, #tpu.memory_space<semaphore_mem>>
        %dma_start3A_80 = arith.constant 0 : i32
        %dma_start3A_81 = arith.constant 0 : i32
        %dma_start3A_82 = tpu.memref_slice %arg15[%dma_start3A_80, %dma_start3A_81] : memref<10112x128xf32, #tpu.memory_space<vmem_shared>> -> memref<10112x128xf32, #tpu.memory_space<vmem_shared>>
        tpu.enqueue_indirect_dma source(%arg14 : memref<128x128xf32, #tpu.memory_space<vmem>>) target(%dma_start3A_82 : memref<10112x128xf32, #tpu.memory_space<vmem_shared>>) offsets(%arg11 : memref<128xi32, #tpu.memory_space<vmem>>) semaphore(%run_scoped3A : memref<!tpu.dma_semaphore, #tpu.memory_space<semaphore_mem>>) {add = true}
        %dma_wait3A_83 = arith.constant 0 : i32
        %dma_wait3A_84 = arith.constant 0 : i32
        %dma_wait3A_85 = tpu.memref_slice %arg15[%dma_wait3A_83, %dma_wait3A_84] : memref<10112x128xf32, #tpu.memory_space<vmem_shared>> -> memref<10112x128xf32, #tpu.memory_space<vmem_shared>>
        tpu.wait_indirect_dma semaphore(%run_scoped3A : memref<!tpu.dma_semaphore, #tpu.memory_space<semaphore_mem>>) src(%arg14 : memref<128x128xf32, #tpu.memory_space<vmem>>) dst(%dma_wait3A_85 : memref<10112x128xf32, #tpu.memory_space<vmem_shared>>)
        tpu.yield
      }) : () -> ()
    }
    %scan3A_30 = arith.constant 27 : i32
    %barrier3A_31 = arith.constant 0 : index
    tpu.barrier barrier_id(%barrier3A_31)
    %scan3A_32 = arith.constant 0 : i32
    %scan3A_33 = arith.constant 0 : i32
    %scan3A_34 = arith.constant 4 : i32
    %scan3A_35 = arith.addi %scan3A_33, %scan3A_34 : i32
    %scan3A_36 = arith.constant 1 : i32
    scf.for %scan3A_41 = %scan3A_33 to %scan3A_35 step %scan3A_36  : i32 {
      %mul3A_42 = arith.constant 632 : i32
      %mul3A_43 = arith.muli %arg1, %mul3A_42 : i32
      %mul3A_44 = arith.constant 128 : i32
      %mul3A_45 = arith.muli %scan3A_41, %mul3A_44 : i32
      %add3A_46 = arith.addi %mul3A_43, %mul3A_45 : i32
      "tpu.region"() ({
        %run_scoped3A = tpu.sem_alloc : memref<!tpu.dma_semaphore, #tpu.memory_space<semaphore_mem>>
        %dma_start3A_50 = arith.constant 0 : i32
        %dma_start3A_51 = tpu.memref_slice %arg15[%add3A_46, %dma_start3A_50] : memref<10112x128xf32, #tpu.memory_space<vmem_shared>> -> memref<128x128xf32, #tpu.memory_space<vmem_shared>>
        %dma_start3A_52 = arith.constant 0 : i32
        %dma_start3A_53 = tpu.memref_slice %arg15[%add3A_46, %dma_start3A_52] : memref<10112x128xf32, #tpu.memory_space<vmem_shared>> -> memref<128x128xf32, #tpu.memory_space<vmem_shared>>
        tpu.enqueue_dma source(%dma_start3A_53 : memref<128x128xf32, #tpu.memory_space<vmem_shared>>) target(%arg12 : memref<128x128xf32, #tpu.memory_space<vmem>>) target_semaphore(%run_scoped3A : memref<!tpu.dma_semaphore, #tpu.memory_space<semaphore_mem>>)
        %dma_wait3A = arith.constant 0 : i32
        %dma_wait3A_54 = tpu.memref_slice %arg15[%add3A_46, %dma_wait3A] : memref<10112x128xf32, #tpu.memory_space<vmem_shared>> -> memref<128x128xf32, #tpu.memory_space<vmem_shared>>
        %dma_wait3A_55 = arith.constant 0 : i32
        %dma_wait3A_56 = tpu.memref_slice %arg15[%add3A_46, %dma_wait3A_55] : memref<10112x128xf32, #tpu.memory_space<vmem_shared>> -> memref<128x128xf32, #tpu.memory_space<vmem_shared>>
        tpu.wait_dma2 semaphore(%run_scoped3A : memref<!tpu.dma_semaphore, #tpu.memory_space<semaphore_mem>>) src(%dma_wait3A_56 : memref<128x128xf32, #tpu.memory_space<vmem_shared>>) dst(%arg12 : memref<128x128xf32, #tpu.memory_space<vmem>>)
        tpu.yield
      }) : () -> ()
      %mul3A_47 = arith.constant 10112 : i32
      %mul3A_48 = arith.muli %arg0, %mul3A_47 : i32
      %add3A_49 = arith.addi %mul3A_48, %add3A_46 : i32
      "tpu.region"() ({
        %run_scoped3A = tpu.sem_alloc : memref<!tpu.dma_semaphore, #tpu.memory_space<semaphore_mem>>
        %dma_start3A_50 = arith.constant 0 : i32
        %dma_start3A_51 = tpu.memref_slice %arg5[%add3A_49, %dma_start3A_50] : memref<20224x128xf32, #tpu.memory_space<hbm>> -> memref<128x128xf32, #tpu.memory_space<hbm>>
        %dma_start3A_52 = arith.constant 0 : i32
        %dma_start3A_53 = tpu.memref_slice %arg5[%add3A_49, %dma_start3A_52] : memref<20224x128xf32, #tpu.memory_space<hbm>> -> memref<128x128xf32, #tpu.memory_space<hbm>>
        tpu.enqueue_dma source(%arg12 : memref<128x128xf32, #tpu.memory_space<vmem>>) target(%dma_start3A_53 : memref<128x128xf32, #tpu.memory_space<hbm>>) target_semaphore(%run_scoped3A : memref<!tpu.dma_semaphore, #tpu.memory_space<semaphore_mem>>)
        %dma_wait3A = arith.constant 0 : i32
        %dma_wait3A_54 = tpu.memref_slice %arg5[%add3A_49, %dma_wait3A] : memref<20224x128xf32, #tpu.memory_space<hbm>> -> memref<128x128xf32, #tpu.memory_space<hbm>>
        %dma_wait3A_55 = arith.constant 0 : i32
        %dma_wait3A_56 = tpu.memref_slice %arg5[%add3A_49, %dma_wait3A_55] : memref<20224x128xf32, #tpu.memory_space<hbm>> -> memref<128x128xf32, #tpu.memory_space<hbm>>
        tpu.wait_dma2 semaphore(%run_scoped3A : memref<!tpu.dma_semaphore, #tpu.memory_space<semaphore_mem>>) src(%arg12 : memref<128x128xf32, #tpu.memory_space<vmem>>) dst(%dma_wait3A_56 : memref<128x128xf32, #tpu.memory_space<hbm>>)
        tpu.yield
      }) : () -> ()
    }
    %scan3A_37 = arith.constant 4 : i32
    "tpu.region"() ({
      %run_scoped3A = tpu.sem_alloc : memref<!tpu.dma_semaphore, #tpu.memory_space<semaphore_mem>>
      %dma_start3A_41 = arith.constant 0 : i32
      %dma_start3A_42 = arith.constant 0 : i32
      %dma_start3A_43 = tpu.memref_slice %arg12[%dma_start3A_41, %dma_start3A_42] : memref<128x128xf32, #tpu.memory_space<vmem>> -> memref<120x128xf32, #tpu.memory_space<vmem>>
      %dma_start3A_44 = arith.constant 0 : i32
      %dma_start3A_45 = tpu.memref_slice %arg15[%add3A_6, %dma_start3A_44] : memref<10112x128xf32, #tpu.memory_space<vmem_shared>> -> memref<120x128xf32, #tpu.memory_space<vmem_shared>>
      %dma_start3A_46 = arith.constant 0 : i32
      %dma_start3A_47 = arith.constant 0 : i32
      %dma_start3A_48 = tpu.memref_slice %arg12[%dma_start3A_46, %dma_start3A_47] : memref<128x128xf32, #tpu.memory_space<vmem>> -> memref<120x128xf32, #tpu.memory_space<vmem>>
      %dma_start3A_49 = arith.constant 0 : i32
      %dma_start3A_50 = tpu.memref_slice %arg15[%add3A_6, %dma_start3A_49] : memref<10112x128xf32, #tpu.memory_space<vmem_shared>> -> memref<120x128xf32, #tpu.memory_space<vmem_shared>>
      tpu.enqueue_dma source(%dma_start3A_50 : memref<120x128xf32, #tpu.memory_space<vmem_shared>>) target(%dma_start3A_48 : memref<120x128xf32, #tpu.memory_space<vmem>>) target_semaphore(%run_scoped3A : memref<!tpu.dma_semaphore, #tpu.memory_space<semaphore_mem>>)
      %dma_wait3A = arith.constant 0 : i32
      %dma_wait3A_51 = arith.constant 0 : i32
      %dma_wait3A_52 = tpu.memref_slice %arg12[%dma_wait3A, %dma_wait3A_51] : memref<128x128xf32, #tpu.memory_space<vmem>> -> memref<120x128xf32, #tpu.memory_space<vmem>>
      %dma_wait3A_53 = arith.constant 0 : i32
      %dma_wait3A_54 = tpu.memref_slice %arg15[%add3A_6, %dma_wait3A_53] : memref<10112x128xf32, #tpu.memory_space<vmem_shared>> -> memref<120x128xf32, #tpu.memory_space<vmem_shared>>
      %dma_wait3A_55 = arith.constant 0 : i32
      %dma_wait3A_56 = arith.constant 0 : i32
      %dma_wait3A_57 = tpu.memref_slice %arg12[%dma_wait3A_55, %dma_wait3A_56] : memref<128x128xf32, #tpu.memory_space<vmem>> -> memref<120x128xf32, #tpu.memory_space<vmem>>
      %dma_wait3A_58 = arith.constant 0 : i32
      %dma_wait3A_59 = tpu.memref_slice %arg15[%add3A_6, %dma_wait3A_58] : memref<10112x128xf32, #tpu.memory_space<vmem_shared>> -> memref<120x128xf32, #tpu.memory_space<vmem_shared>>
      tpu.wait_dma2 semaphore(%run_scoped3A : memref<!tpu.dma_semaphore, #tpu.memory_space<semaphore_mem>>) src(%dma_wait3A_59 : memref<120x128xf32, #tpu.memory_space<vmem_shared>>) dst(%dma_wait3A_57 : memref<120x128xf32, #tpu.memory_space<vmem>>)
      tpu.yield
    }) : () -> ()
    %mul3A_38 = arith.constant 10112 : i32
    %mul3A_39 = arith.muli %arg0, %mul3A_38 : i32
    %add3A_40 = arith.addi %mul3A_39, %add3A_6 : i32
    "tpu.region"() ({
      %run_scoped3A = tpu.sem_alloc : memref<!tpu.dma_semaphore, #tpu.memory_space<semaphore_mem>>
      %dma_start3A_41 = arith.constant 0 : i32
      %dma_start3A_42 = arith.constant 0 : i32
      %dma_start3A_43 = tpu.memref_slice %arg12[%dma_start3A_41, %dma_start3A_42] : memref<128x128xf32, #tpu.memory_space<vmem>> -> memref<120x128xf32, #tpu.memory_space<vmem>>
      %dma_start3A_44 = arith.constant 0 : i32
      %dma_start3A_45 = tpu.memref_slice %arg5[%add3A_40, %dma_start3A_44] : memref<20224x128xf32, #tpu.memory_space<hbm>> -> memref<120x128xf32, #tpu.memory_space<hbm>>
      %dma_start3A_46 = arith.constant 0 : i32
      %dma_start3A_47 = tpu.memref_slice %arg5[%add3A_40, %dma_start3A_46] : memref<20224x128xf32, #tpu.memory_space<hbm>> -> memref<120x128xf32, #tpu.memory_space<hbm>>
      %dma_start3A_48 = arith.constant 0 : i32
      %dma_start3A_49 = arith.constant 0 : i32
      %dma_start3A_50 = tpu.memref_slice %arg12[%dma_start3A_48, %dma_start3A_49] : memref<128x128xf32, #tpu.memory_space<vmem>> -> memref<120x128xf32, #tpu.memory_space<vmem>>
      tpu.enqueue_dma source(%dma_start3A_50 : memref<120x128xf32, #tpu.memory_space<vmem>>) target(%dma_start3A_47 : memref<120x128xf32, #tpu.memory_space<hbm>>) target_semaphore(%run_scoped3A : memref<!tpu.dma_semaphore, #tpu.memory_space<semaphore_mem>>)
      %dma_wait3A = arith.constant 0 : i32
      %dma_wait3A_51 = arith.constant 0 : i32
      %dma_wait3A_52 = tpu.memref_slice %arg12[%dma_wait3A, %dma_wait3A_51] : memref<128x128xf32, #tpu.memory_space<vmem>> -> memref<120x128xf32, #tpu.memory_space<vmem>>
      %dma_wait3A_53 = arith.constant 0 : i32
      %dma_wait3A_54 = tpu.memref_slice %arg5[%add3A_40, %dma_wait3A_53] : memref<20224x128xf32, #tpu.memory_space<hbm>> -> memref<120x128xf32, #tpu.memory_space<hbm>>
      %dma_wait3A_55 = arith.constant 0 : i32
      %dma_wait3A_56 = tpu.memref_slice %arg5[%add3A_40, %dma_wait3A_55] : memref<20224x128xf32, #tpu.memory_space<hbm>> -> memref<120x128xf32, #tpu.memory_space<hbm>>
      %dma_wait3A_57 = arith.constant 0 : i32
      %dma_wait3A_58 = arith.constant 0 : i32
      %dma_wait3A_59 = tpu.memref_slice %arg12[%dma_wait3A_57, %dma_wait3A_58] : memref<128x128xf32, #tpu.memory_space<vmem>> -> memref<120x128xf32, #tpu.memory_space<vmem>>
      tpu.wait_dma2 semaphore(%run_scoped3A : memref<!tpu.dma_semaphore, #tpu.memory_space<semaphore_mem>>) src(%dma_wait3A_59 : memref<120x128xf32, #tpu.memory_space<vmem>>) dst(%dma_wait3A_56 : memref<120x128xf32, #tpu.memory_space<hbm>>)
      tpu.yield
    }) : () -> ()
    return
  }
}

module attributes {stable_mosaic.version = 14 : i64} {
  func.func @_lin_body(%arg0: i32, %arg1: memref<1000x128xf32, #tpu.memory_space<vmem>>, %arg2: memref<128x128xf32, #tpu.memory_space<vmem>>, %arg3: memref<1000x1xf32, #tpu.memory_space<vmem>>, %arg4: memref<1000x1xf32, #tpu.memory_space<vmem>>, %arg5: memref<1000x128xf32, #tpu.memory_space<vmem>>) attributes {dimension_semantics = [#tpu.dimension_semantics<arbitrary>], iteration_bounds = array<i64: 10>, scalar_prefetch = 0 : i64, scratch_operands = 0 : i64, tpu.core_type = #tpu.core_type<tc>, window_params = [{transform_indices = @transform_0, window_bounds = array<i64: 1000, 128>}, {pipeline_mode = #tpu.pipeline_mode<synchronous>, transform_indices = @transform_1, window_bounds = array<i64: 128, 128>}, {transform_indices = @transform_2, window_bounds = array<i64: 1000, 1>}, {transform_indices = @transform_3, window_bounds = array<i64: 1000, 1>}, {transform_indices = @transform_4, window_bounds = array<i64: 1000, 128>}]} {
    %get3A = arith.constant 0 : index
    %get3A_0 = arith.constant 0 : index
    %get3A_1 = vector.load %arg3[%get3A, %get3A_0] : memref<1000x1xf32, #tpu.memory_space<vmem>>, vector<1000x1xf32>
    %get3A_2 = arith.constant 0 : index
    %get3A_3 = arith.constant 0 : index
    %get3A_4 = vector.load %arg4[%get3A_2, %get3A_3] : memref<1000x1xf32, #tpu.memory_space<vmem>>, vector<1000x1xf32>
    %add3A = arith.addf %get3A_1, %get3A_4 : vector<1000x1xf32>
    %add3A_5 = arith.constant 1.000000e+00 : f32
    %add3A_6 = vector.broadcast %add3A_5 : f32 to vector<1000x1xf32>
    %add3A_7 = arith.addf %add3A, %add3A_6 : vector<1000x1xf32>
    %rsqrt3A = math.rsqrt %add3A_7 : vector<1000x1xf32>
    %get3A_8 = arith.constant 0 : index
    %get3A_9 = arith.constant 0 : index
    %get3A_10 = vector.load %arg1[%get3A_8, %get3A_9] : memref<1000x128xf32, #tpu.memory_space<vmem>>, vector<1000x128xf32>
    %get3A_11 = arith.constant 0 : index
    %get3A_12 = arith.constant 0 : index
    %get3A_13 = vector.load %arg2[%get3A_11, %get3A_12] : memref<128x128xf32, #tpu.memory_space<vmem>>, vector<128x128xf32>
    %dot_general3A = arith.constant dense<0.000000e+00> : vector<1000x128xf32>
    %dot_general3A_14 = tpu.matmul %get3A_10, %get3A_13, %dot_general3A {dimension_numbers = #tpu.dot_dimension_numbers<[1], [1], [0], [0], [0, 0, 1, 0], [], []>, transpose_lhs_hint = false} : vector<1000x128xf32>, vector<128x128xf32>, vector<1000x128xf32> -> vector<1000x128xf32>
    %mul3A = vector.broadcast %rsqrt3A : vector<1000x1xf32> to vector<1000x128xf32>
    %mul3A_15 = arith.mulf %dot_general3A_14, %mul3A : vector<1000x128xf32>
    %swap3A = arith.constant 0 : index
    %swap3A_16 = arith.constant 0 : index
    %swap3A_17 = vector.load %arg5[%swap3A, %swap3A_16] : memref<1000x128xf32, #tpu.memory_space<vmem>>, vector<1000x128xf32>
    tpu.vector_store %arg5[%swap3A, %swap3A_16], %mul3A_15 {strides = array<i32>} : memref<1000x128xf32, #tpu.memory_space<vmem>>, vector<1000x128xf32>,
    return
  }
  func.func @transform_0(%arg0: i32) -> (i32, i32) {
    %c0_i32 = arith.constant 0 : i32
    %c0_i32_0 = arith.constant 0 : i32
    return %arg0, %c0_i32 : i32, i32
  }
  func.func @transform_1(%arg0: i32) -> (i32, i32) {
    %c0_i32 = arith.constant 0 : i32
    %c0_i32_0 = arith.constant 0 : i32
    %c0_i32_1 = arith.constant 0 : i32
    return %c0_i32, %c0_i32_0 : i32, i32
  }
  func.func @transform_2(%arg0: i32) -> (i32, i32) {
    %c0_i32 = arith.constant 0 : i32
    %c0_i32_0 = arith.constant 0 : i32
    return %arg0, %c0_i32 : i32, i32
  }
  func.func @transform_3(%arg0: i32) -> (i32, i32) {
    %c0_i32 = arith.constant 0 : i32
    %c0_i32_0 = arith.constant 0 : i32
    return %arg0, %c0_i32 : i32, i32
  }
  func.func @transform_4(%arg0: i32) -> (i32, i32) {
    %c0_i32 = arith.constant 0 : i32
    %c0_i32_0 = arith.constant 0 : i32
    return %arg0, %c0_i32 : i32, i32
  }
}

module attributes {stable_mosaic.version = 14 : i64} {
  func.func @_ln_body(%arg0: i32, %arg1: memref<1000x128xf32, #tpu.memory_space<vmem>>, %arg2: memref<1000x128xf32, #tpu.memory_space<vmem>>, %arg3: memref<1000x128xf32, #tpu.memory_space<vmem>>, %arg4: memref<1000x128xf32, #tpu.memory_space<vmem>>, %arg5: memref<1000x1xf32, #tpu.memory_space<vmem>>, %arg6: memref<1000x1xf32, #tpu.memory_space<vmem>>, %arg7: memref<8x128xf32, #tpu.memory_space<vmem>>, %arg8: memref<8x128xf32, #tpu.memory_space<vmem>>, %arg9: memref<1000x128xf32, #tpu.memory_space<vmem>>) attributes {dimension_semantics = [#tpu.dimension_semantics<arbitrary>], iteration_bounds = array<i64: 10>, scalar_prefetch = 0 : i64, scratch_operands = 0 : i64, tpu.core_type = #tpu.core_type<tc>, window_params = [{transform_indices = @transform_0, window_bounds = array<i64: 1000, 128>}, {transform_indices = @transform_1, window_bounds = array<i64: 1000, 128>}, {transform_indices = @transform_2, window_bounds = array<i64: 1000, 128>}, {transform_indices = @transform_3, window_bounds = array<i64: 1000, 128>}, {transform_indices = @transform_4, window_bounds = array<i64: 1000, 1>}, {transform_indices = @transform_5, window_bounds = array<i64: 1000, 1>}, {pipeline_mode = #tpu.pipeline_mode<synchronous>, transform_indices = @transform_6, window_bounds = array<i64: 8, 128>}, {pipeline_mode = #tpu.pipeline_mode<synchronous>, transform_indices = @transform_7, window_bounds = array<i64: 8, 128>}, {transform_indices = @transform_8, window_bounds = array<i64: 1000, 128>}]} {
    %get3A = arith.constant 0 : index
    %get3A_0 = arith.constant 0 : index
    %get3A_1 = vector.load %arg5[%get3A, %get3A_0] : memref<1000x1xf32, #tpu.memory_space<vmem>>, vector<1000x1xf32>
    %get3A_2 = arith.constant 0 : index
    %get3A_3 = arith.constant 0 : index
    %get3A_4 = vector.load %arg6[%get3A_2, %get3A_3] : memref<1000x1xf32, #tpu.memory_space<vmem>>, vector<1000x1xf32>
    %add3A = arith.addf %get3A_1, %get3A_4 : vector<1000x1xf32>
    %add3A_5 = arith.constant 1.000000e+00 : f32
    %add3A_6 = vector.broadcast %add3A_5 : f32 to vector<1000x1xf32>
    %add3A_7 = arith.addf %add3A, %add3A_6 : vector<1000x1xf32>
    %rsqrt3A = math.rsqrt %add3A_7 : vector<1000x1xf32>
    %get3A_8 = arith.constant 0 : index
    %get3A_9 = arith.constant 0 : index
    %get3A_10 = vector.load %arg1[%get3A_8, %get3A_9] : memref<1000x128xf32, #tpu.memory_space<vmem>>, vector<1000x128xf32>
    %get3A_11 = arith.constant 0 : index
    %get3A_12 = arith.constant 0 : index
    %get3A_13 = vector.load %arg2[%get3A_11, %get3A_12] : memref<1000x128xf32, #tpu.memory_space<vmem>>, vector<1000x128xf32>
    %add3A_14 = arith.addf %get3A_10, %get3A_13 : vector<1000x128xf32>
    %get3A_15 = arith.constant 0 : index
    %get3A_16 = arith.constant 0 : index
    %get3A_17 = vector.load %arg3[%get3A_15, %get3A_16] : memref<1000x128xf32, #tpu.memory_space<vmem>>, vector<1000x128xf32>
    %sub3A = arith.subf %add3A_14, %get3A_17 : vector<1000x128xf32>
    %mul3A = vector.broadcast %rsqrt3A : vector<1000x1xf32> to vector<1000x128xf32>
    %mul3A_18 = arith.mulf %sub3A, %mul3A : vector<1000x128xf32>
    %get3A_19 = arith.constant 0 : index
    %get3A_20 = arith.constant 0 : index
    %get3A_21 = vector.load %arg4[%get3A_19, %get3A_20] : memref<1000x128xf32, #tpu.memory_space<vmem>>, vector<1000x128xf32>
    %add3A_22 = arith.addf %mul3A_18, %get3A_21 : vector<1000x128xf32>
    %reduce_sum3A = arith.constant dense<0.000000e+00> : vector<1000xf32>
    %reduce_sum3A_23 = vector.multi_reduction <add>, %add3A_22, %reduce_sum3A [1] : vector<1000x128xf32> to vector<1000xf32>
    %broadcast_in_dim3A = vector.shape_cast %reduce_sum3A_23 : vector<1000xf32> to vector<1000x1xf32>
    %div3A = arith.constant 1.280000e+02 : f32
    %div3A_24 = vector.broadcast %div3A : f32 to vector<1000x1xf32>
    %div3A_25 = arith.divf %broadcast_in_dim3A, %div3A_24 : vector<1000x1xf32>
    %sub3A_26 = vector.broadcast %div3A_25 : vector<1000x1xf32> to vector<1000x128xf32>
    %sub3A_27 = arith.subf %add3A_22, %sub3A_26 : vector<1000x128xf32>
    %mul3A_28 = arith.mulf %sub3A_27, %sub3A_27 : vector<1000x128xf32>
    %reduce_sum3A_29 = arith.constant dense<0.000000e+00> : vector<1000xf32>
    %reduce_sum3A_30 = vector.multi_reduction <add>, %mul3A_28, %reduce_sum3A_29 [1] : vector<1000x128xf32> to vector<1000xf32>
    %broadcast_in_dim3A_31 = vector.shape_cast %reduce_sum3A_30 : vector<1000xf32> to vector<1000x1xf32>
    %div3A_32 = arith.constant 1.280000e+02 : f32
    %div3A_33 = vector.broadcast %div3A_32 : f32 to vector<1000x1xf32>
    %div3A_34 = arith.divf %broadcast_in_dim3A_31, %div3A_33 : vector<1000x1xf32>
    %add3A_35 = arith.constant 9.99999974E-6 : f32
    %add3A_36 = vector.broadcast %add3A_35 : f32 to vector<1000x1xf32>
    %add3A_37 = arith.addf %div3A_34, %add3A_36 : vector<1000x1xf32>
    %rsqrt3A_38 = math.rsqrt %add3A_37 : vector<1000x1xf32>
    %mul3A_39 = vector.broadcast %rsqrt3A_38 : vector<1000x1xf32> to vector<1000x128xf32>
    %mul3A_40 = arith.mulf %sub3A_27, %mul3A_39 : vector<1000x128xf32>
    %get3A_41 = arith.constant 0 : index
    %get3A_42 = arith.constant 0 : index
    %get3A_43 = vector.load %arg7[%get3A_41, %get3A_42] : memref<8x128xf32, #tpu.memory_space<vmem>>, vector<1x128xf32>
    %mul3A_44 = vector.broadcast %get3A_43 : vector<1x128xf32> to vector<1000x128xf32>
    %mul3A_45 = arith.mulf %mul3A_40, %mul3A_44 : vector<1000x128xf32>
    %get3A_46 = arith.constant 0 : index
    %get3A_47 = arith.constant 0 : index
    %get3A_48 = vector.load %arg8[%get3A_46, %get3A_47] : memref<8x128xf32, #tpu.memory_space<vmem>>, vector<1x128xf32>
    %add3A_49 = vector.broadcast %get3A_48 : vector<1x128xf32> to vector<1000x128xf32>
    %add3A_50 = arith.addf %mul3A_45, %add3A_49 : vector<1000x128xf32>
    %max3A = arith.constant 0.000000e+00 : f32
    %max3A_51 = vector.broadcast %max3A : f32 to vector<1000x128xf32>
    %max3A_52 = arith.maximumf %add3A_50, %max3A_51 : vector<1000x128xf32>
    %swap3A = arith.constant 0 : index
    %swap3A_53 = arith.constant 0 : index
    %swap3A_54 = vector.load %arg9[%swap3A, %swap3A_53] : memref<1000x128xf32, #tpu.memory_space<vmem>>, vector<1000x128xf32>
    tpu.vector_store %arg9[%swap3A, %swap3A_53], %max3A_52 {strides = array<i32>} : memref<1000x128xf32, #tpu.memory_space<vmem>>, vector<1000x128xf32>,
    return
  }
  func.func @transform_0(%arg0: i32) -> (i32, i32) {
    %c0_i32 = arith.constant 0 : i32
    %c0_i32_0 = arith.constant 0 : i32
    return %arg0, %c0_i32 : i32, i32
  }
  func.func @transform_1(%arg0: i32) -> (i32, i32) {
    %c0_i32 = arith.constant 0 : i32
    %c0_i32_0 = arith.constant 0 : i32
    return %arg0, %c0_i32 : i32, i32
  }
  func.func @transform_2(%arg0: i32) -> (i32, i32) {
    %c0_i32 = arith.constant 0 : i32
    %c0_i32_0 = arith.constant 0 : i32
    return %arg0, %c0_i32 : i32, i32
  }
  func.func @transform_3(%arg0: i32) -> (i32, i32) {
    %c0_i32 = arith.constant 0 : i32
    %c0_i32_0 = arith.constant 0 : i32
    return %arg0, %c0_i32 : i32, i32
  }
  func.func @transform_4(%arg0: i32) -> (i32, i32) {
    %c0_i32 = arith.constant 0 : i32
    %c0_i32_0 = arith.constant 0 : i32
    return %arg0, %c0_i32 : i32, i32
  }
  func.func @transform_5(%arg0: i32) -> (i32, i32) {
    %c0_i32 = arith.constant 0 : i32
    %c0_i32_0 = arith.constant 0 : i32
    return %arg0, %c0_i32 : i32, i32
  }
  func.func @transform_6(%arg0: i32) -> (i32, i32) {
    %c0_i32 = arith.constant 0 : i32
    %c0_i32_0 = arith.constant 0 : i32
    %c0_i32_1 = arith.constant 0 : i32
    return %c0_i32, %c0_i32_0 : i32, i32
  }
  func.func @transform_7(%arg0: i32) -> (i32, i32) {
    %c0_i32 = arith.constant 0 : i32
    %c0_i32_0 = arith.constant 0 : i32
    %c0_i32_1 = arith.constant 0 : i32
    return %c0_i32, %c0_i32_0 : i32, i32
  }
  func.func @transform_8(%arg0: i32) -> (i32, i32) {
    %c0_i32 = arith.constant 0 : i32
    %c0_i32_0 = arith.constant 0 : i32
    return %arg0, %c0_i32 : i32, i32
  }
}

</mosaic_0001>

<sc_bundles>
// kernel: kernel.6.cloned.1.call-start
scs
__scs_entry_jumppad:
0x0: {  	(pc) =	sbr.rel $0x88, $3  }
0x1: {  	(tag) =	ssettag $0x0;
	lr =	simm.s32 $0x1  }
0x2: {  	[smem:$0x3F9C] =	sst lr;
	_ =	strace $0xD0000000  }
0x3: {  	_ = 	snop  }
0x4: {  	_ = 	snop  }
0x5: {  	_ = 	snop  }
0x6: {  	_ = 	snop  }
0x7: {  	_ = 	snop  }
__scs_overlays_trampoline_lowered:
0x8: {  	[smem:$0x3FAB] =	sst s0  }
0x9: {  	[smem:$0x3FAC] =	sst s1  }
0xa: {  	[smem:$0x3FAD] =	sst s2  }
0xb: {  	[smem:$0x3FAE] =	sst s3  }
0xc: {  	[smem:$0x3FAF] =	sst s4  }
0xd: {  	[smem:$0x3FB0] =	sst s5  }
0xe: {  	[smem:$0x3FB1] =	sst s6  }
0xf: {  	[smem:$0x3FB2] =	sst s7  }
0x10: {  	[smem:$0x3FB3] =	sst s8  }
0x11: {  	[smem:$0x3FB4] =	sst s9;
	s0 =	simm.s32 @!p0 $0x0  }
0x12: {  	s1 =	sld [smem:$0x3F9A];
	s0 =	simm.s32 @p0 $0x1  }
0x13: {  	[smem:$0x3FB5] =	sst s0;
	s0 =	simm.s32 @!p1 $0x0  }
0x14: {  	s2 =	sld [smem:$0x3F99];
	s0 =	simm.s32 @p1 $0x1  }
0x15: {  	[smem:$0x3FB6] =	sst s0;
	s0 =	simm.s32 @!p2 $0x0  }
0x16: {  	s3 =	sld [smem:$0x3FDB];
	s0 =	simm.s32 @p2 $0x1  }
0x17: {  	s4 =	simm.s32 $0x1BF5;
	[smem:$0x3FB8] =	sst s0  }
0x18: {  	s0 =	sld [smem:$0x3F9B];
	_ =	swait.ge [sflag:s4], $0x0  }
0x19: {  	s7 =	sld [smem:$0x3F9C]  }
0x1a: {  	s8 =	sadd.s32 $0xFFFFE003, lr  }
0x1b: {  	s9 =	sadd.s32 $0xFFFFFEF7, lr;
	s5 =	simm.s32 $0xFFFFFFFF;
	p2 =	slt.u32 s8, $0xFFFFF086  }
0x1c: {  	p1 =	slt.u32 s9, $0xF7A;
	s5 =	simm.s32 @!p2 $0x0  }
0x1d: {  	s5 =	simm.s32 @p1 $0x1;
	p0 =	seq.s32 s7, s2  }
0x1e: {  	s7 =	smul.u32 @!p0 $0xF7A, s2;
	p2 =	seq.s32 @!p0 s5, $0x0  }
0x1f: {  	s9 =	smul.u32 $0xF7A, s1;
	s8 =	simm.s32 @!p0 $0x1BF5;
	p2 =	por !p2, p0  }
0x20: {  	[sflag:s8] =	ssyncset.s32 @!p0 $0xFFFFF086;
	s6 =	sadd.s32 @!p0 s3, s7;
	s7 =	simm.s32 @!p0 $0x108  }
0x21: {  	s3 =	sadd.s32 s3, s9;
	s6 =	sadd.s32 @!p0 $0x88, s6;
	s7 =	simm.s32 @p2 $0x1082  }
0x22: {  	[simem:s7], [sflag:s8] =	dma.local @!p0 [hbm:s6], $0xF7A  }
0x23: {  	s9 =	sor.u32 $0xD0000000, s2;
	s6 =	simm.s32 $0x108;
	_ =	swait.ge @!p0 [sflag:s8], $0x0  }
0x24: {  	s3 =	sadd.s32 $0x88, s3;
	s6 =	simm.s32 @!p1 $0x1082;
	[sflag:s4] =	ssyncset.s32 $0xFFFFF086  }
0x25: {  	[simem:s6], [sflag:s4] =	dma.local [hbm:s3], $0xF7A  }
0x26: {  	[smem:$0x3F9C] =	sst s1;
	(tag) =	ssettag s2;
	_ =	strace s9  }
0x27: {  	s1 =	sld [smem:$0x3FAC]  }
0x28: {  	s2 =	sld [smem:$0x3FAD]  }
0x29: {  	s4 =	sld [smem:$0x3FAF]  }
0x2a: {  	p0 =	seq.s32 s5, $0x0;
	s5 =	sld [smem:$0x3FB0]  }
0x2b: {  	s6 =	sld [smem:$0x3FB1]  }
0x2c: {  	s7 =	sld [smem:$0x3FB2]  }
0x2d: {  	s3 =	simm.s32 $0x108;
	s8 =	sld [smem:$0x3FB3]  }
0x2e: {  	s3 =	simm.s32 @!p0 $0x1082;
	s9 =	sld [smem:$0x3FB4]  }
0x2f: {  	lr =	sadd.s32 s0, s3;
	s0 =	sld [smem:$0x3FAB]  }
0x30: {  	s3 =	sld [smem:$0x3FAE]  }
0x31: {  	[smem:$0x3FB7] =	sst s10  }
0x32: {  	s10 =	sld [smem:$0x3FB5];
	_ =	sdelay $0x3  }
0x33: {  	p0 =	seq.s32 s10, $0x1;
	s10 =	sld [smem:$0x3FB7];
	_ =	sdelay $0x3  }
0x34: {  	[smem:$0x3FB7] =	sst s10  }
0x35: {  	s10 =	sld [smem:$0x3FB6];
	_ =	sdelay $0x3  }
0x36: {  	p1 =	seq.s32 s10, $0x1;
	s10 =	sld [smem:$0x3FB7];
	_ =	sdelay $0x3  }
0x37: {  	[smem:$0x3FB7] =	sst s10  }
0x38: {  	s10 =	sld [smem:$0x3FB8]  }
0x39: {  	_ = 	snop;
	(pc) =	sbr.ind lr, $3  }
0x3a: {  	_ = 	snop  }
0x3b: {  	_ = 	snop  }
0x3c: {  	p2 =	seq.s32 s10, $0x1;
	s10 =	sld [smem:$0x3FB7]  }
0x3d: {  	_ =	shalt  }
0x3e: {  	_ =	shalt  }
0x3f: {  	_ =	shalt  }
0x40: {  	_ =	shalt  }
0x41: {  	_ =	shalt  }
0x42: {  	_ =	shalt  }
0x43: {  	_ =	shalt  }
0x44: {  	_ =	shalt  }
0x45: {  	_ =	shalt  }
0x46: {  	_ =	shalt  }
0x47: {  	_ =	shalt  }
0x48: {  	_ =	shalt  }
0x49: {  	_ =	shalt  }
0x4a: {  	_ =	shalt  }
0x4b: {  	_ =	shalt  }
0x4c: {  	_ =	shalt  }
0x4d: {  	_ =	shalt  }
0x4e: {  	_ =	shalt  }
0x4f: {  	_ =	shalt  }
0x50: {  	_ =	shalt  }
0x51: {  	_ =	shalt  }
0x52: {  	_ =	shalt  }
0x53: {  	_ =	shalt  }
0x54: {  	_ =	shalt  }
0x55: {  	_ =	shalt  }
0x56: {  	_ =	shalt  }
0x57: {  	_ =	shalt  }
0x58: {  	_ =	shalt  }
0x59: {  	_ =	shalt  }
0x5a: {  	_ =	shalt  }
0x5b: {  	_ =	shalt  }
0x5c: {  	_ =	shalt  }
0x5d: {  	_ =	shalt  }
0x5e: {  	_ =	shalt  }
0x5f: {  	_ =	shalt  }
0x60: {  	_ =	shalt  }
0x61: {  	_ =	shalt  }
0x62: {  	_ =	shalt  }
0x63: {  	_ =	shalt  }
0x64: {  	_ =	shalt  }
0x65: {  	_ =	shalt  }
0x66: {  	_ =	shalt  }
0x67: {  	_ =	shalt  }
0x68: {  	_ =	shalt  }
0x69: {  	_ =	shalt  }
0x6a: {  	_ =	shalt  }
0x6b: {  	_ =	shalt  }
0x6c: {  	_ =	shalt  }
0x6d: {  	_ =	shalt  }
0x6e: {  	_ =	shalt  }
0x6f: {  	_ =	shalt  }
0x70: {  	_ =	shalt  }
0x71: {  	_ =	shalt  }
0x72: {  	_ =	shalt  }
0x73: {  	_ =	shalt  }
0x74: {  	_ =	shalt  }
0x75: {  	_ =	shalt  }
0x76: {  	_ =	shalt  }
0x77: {  	_ =	shalt  }
0x78: {  	_ =	shalt  }
0x79: {  	_ =	shalt  }
0x7a: {  	_ =	shalt  }
0x7b: {  	_ =	shalt  }
0x7c: {  	_ =	shalt  }
0x7d: {  	_ =	shalt  }
0x7e: {  	_ =	shalt  }
0x7f: {  	_ =	shalt  }
0x80: {  	_ =	shalt  }
0x81: {  	_ =	shalt  }
0x82: {  	_ =	shalt  }
0x83: {  	_ =	shalt  }
0x84: {  	_ =	shalt  }
0x85: {  	_ =	shalt  }
0x86: {  	_ =	shalt  }
0x87: {  	_ =	shalt  }
.Lfunc_end0:
.L_simem_size_0:
called_computation_lowered:
.L_overlay_start_0:
0x88: {  	s2 =	sld [smem:$0x3FD9]  }
0x89: {  	s3 =	sld [smem:$0x3FFE];
	_ =	sdelay $0x1  }
0x8a: {  	s1 =	srdreg.scid  }
0x8b: {  	s0 =	sand.u32 $0x1, s1  }
0x8c: {  	s17 =	sshll.u32 s0, $0xA;
	s2 =	sadd.s32 s3, s2  }
0x8d: {  	s2 =	sadd.s32 s2, s17  }
0x8e: {  	[smem:$0x3FC3] =	sst s2  }
0x8f: {  	_ = 	snop  }
0x90: {  	s2 =	sld [smem:$0x3FD0];
	(tm) =	ssettm $0x1  }
0x91: {  	s18 =	sld [smem:$0x3FFB];
	_ =	sdelay $0x3  }
0x92: {  	_ =	strace s18  }
0x93: {  	s3 =	sld [smem:$0x3FFC];
	_ =	sdelay $0x3  }
0x94: {  	_ =	strace s3  }
0x95: {  	s3 =	sld [smem:$0x3FFD];
	_ =	sdelay $0x3  }
0x96: {  	_ =	strace s3  }
0x97: {  	_ =	strace $0x8FFFFFFF  }
0x98: {  	s19 =	sld [smem:$0x3FDB];
	_ =	sdelay $0x1  }
0x99: {  	s4 =	simm.s32 $_scs_section_size  }
0x9a: {  	s5 =	simm.s32 $_size__tile_overlayer_lowered;
	s6 =	simm.s32 $_tile_overlayer_lowered  }
0x9b: {  	s22 =	simm.s32 $0x1BFF;
	s21 =	sshll.u32 s6, $0x1;
	s3 =	sadd.s32 s4, s19  }
0x9c: {  	s7 =	simm.s32 $0x0;
	s20 =	sshll.u32 s5, $0x1;
	s5 =	sadd.s32 s21, s3  }
0x9d: {  	[timem:s7], [sflag:s22] =	dma.local [hbm:s5], s20  }
0x9e: {  	_ =	swait.ge [sflag:s22], s20  }
0x9f: {  	s4 =	ssub.s32 $0x0, s20;
	[sflag:s22] =	ssyncset.done $0x0  }
0xa0: {  	[sflag:s22] =	ssyncadd.s32 s4;
	_ =	sdelay $0x1  }
0xa1: {  	s23 =	simm.s32 $0x1B8B  }
0xa2: {  	_ =	swait.ge [sflag:s23], $0x1  }
0xa3: {  	[sflag:s23] =	ssyncset.done $0x0  }
0xa4: {  	s25 =	simm.s32 $0x1B8E;
	s24 =	sld [smem:$0x3FFE];
	[sflag:s23] =	ssyncadd.s32 $0xFFFFFFFF  }
0xa5: {  	s26 =	simm.s32 $execute0_lowered;
	[smem:$0x3FD2] =	sst s25  }
0xa6: {  	s5 =	sshll.u32 s26, $0x1;
	_ =	strace $0x80000046;
	[dreg:$0x1] =	wrdreg $0xFFFFFFFF  }
0xa7: {  	s28 =	simm.s32 $_size_execute0_lowered;
	s3 =	sadd.s32 s3, s5;
	[dreg:$0x0] =	wrdreg $0x0  }
0xa8: {  	s5 =	sshll.u32 s28, $0x1;
	[dreg:$0x2] =	wrdreg s3  }
0xa9: {  	[dreg:$0x3] =	wrdreg s5  }
0xaa: {  	[dreg:$0x4] =	wrdreg $0xC0  }
0xab: {  	_ =	task [dreg:s7], $0x5FFFF  }
0xac: {  	[dreg:$0x1] =	wrdreg $0xFFFFFFFF  }
0xad: {  	[dreg:$0x0] =	wrdreg $0x60  }
0xae: {  	[dreg:$0x2] =	wrdreg s2  }
0xaf: {  	[dreg:$0x3] =	wrdreg s24  }
0xb0: {  	[dreg:$0x4] =	wrdreg $0x81000  }
0xb1: {  	[dreg:$0x5] =	wrdreg $0x9  }
0xb2: {  	_ =	task.clear_ibuf [dreg:s7], $0x6FFFF;
	_ =	strace $0x90000046  }
0xb3: {  	s29 =	simm.s32 $0x9;
	_ =	strace $0x80000048  }
0xb4: {  	_ =	swait.ge [sflag:s29], $0x1  }
0xb5: {  	[sflag:s29] =	ssyncadd.s32 $0xFFFFFFFF  }
0xb6: {  	_ =	strace $0x90000048  }
0xb7: {  	_ =	sfence  }
0xb8: {  	s30 =	sld [smem:$0x0];
	_ =	sdelay $0x2  }
0xb9: {  	s31 =	sshll.u32 s1, $0xD;
	s1 =	sshrl.u32 s1, $0x2  }
0xba: {  	s3 =	sand.u32 $0x4000, s31;
	s1 =	sadd.s32 s1, s30  }
0xbb: {  	s0 =	sor.u32 s3, s0;
	s1 =	sshll.u32 s1, $0x11  }
0xbc: {  	s0 =	sor.u32 s1, s0  }
0xbd: {  	s0 =	sadd.s32 $0x8F2B, s0  }
0xbe: {  	[sflag:s0] =	ssyncadd.remote.s32 $0x1  }
0xbf: {  	_ =	sfence.sel $0xFFFF  }
0xc0: {  	[dreg:$0x0] =	wrdreg $0xFFFFFFFF;
	(pc) =	sbr.abs _section_cstart, $3  }
0xc1: {  	[dreg:$0x1] =	wrdreg $0xFFFFFFFF  }
0xc2: {  	_ =	task.clear_ibuf [dreg:s7], $0x2FFFF;
	_ =	strace $0x9FFFFFFF  }
0xc3: {  	(tm) =	ssettm $0x7FFFFFFF  }
tec
execute0_lowered:
.L_overlay_start_1:
0x0: {  	(tag) =	ssettag $0x1  }
0x1: {  	s1 =	rddreg [dreg:$0x0]  }
0x2: {  	s0 =	rddreg [dreg:$0x1]  }
0x3: {  	s2 =	rddreg [dreg:$0x2];
	s3 =	simm.s32 $0x0  }
0x4: {  	s4 =	srdreg.scid;
	s21 =	stileid.u32;
	s28 =	simm.s32 $0x80  }
0x5: {  	s29 =	simm.s32 $0x1;
	s30 =	simm.s32 $0x2;
	s31 =	simm.s32 $0x0  }
0x6: {  	[smem:$0x7FF] =	sst s3;
	s5 =	sadd.s32 $0xBC00, s0;
	s7 =	smul.u32 $0x4F000, s21  }
0x7: {  	s4 =	sand.u32 $0x1, s4;
	s26 =	sadd.s32 $0xCC00, s0;
	s19 =	smul.u32 $0x278, s21  }
0x8: {  	s0 =	sadd.s32 $0xC400, s0;
	_ =	strace $0x80000047;
	[dreg:$0x4] =	wrdreg s5  }
0x9: {  	s6 =	ssub.s32 $0x2, s4;
	s9 =	sshll.u32 s4, $0x4;
	s20 =	smul.u32 $0x2780, s4  }
0xa: {  	[dreg:$0x5] =	wrdreg s0;
	s4 =	smul.u32 $0x28800, s4;
	s8 =	sshrl.u32 s6, $0x1  }
0xb: {  	s13 =	sor.u32 s21, s9;
	s7 =	sshrl.u32 s7, $0x2;
	s14 =	sadd.s32 $0x200, s19  }
0xc: {  	s22 =	sadd.s32 $0x100, s19;
	s21 =	smul.u32 $0x2880, s21;
	s11 =	ssub.s32 s6, s8  }
0xd: {  	s9 =	smul.u32 $0x2880, s13;
	s7 =	sadd.s32 s7, s2;
	s15 =	sadd.s32 s20, s14  }
0xe: {  	s8 =	sshll.u32 s14, $0x7;
	s17 =	sadd.s32 s20, s19;
	s0 =	sshll.u32 s15, $0x4  }
0xf: {  	s8 =	sadd.s32 s8, s2;
	s11 =	smax.u32 s11, $0x1;
	s12 =	sadd.s32 $0x4000, s7  }
0x10: {  	s13 =	sadd.s32 $0x8000, s7;
	s14 =	sadd.s32 $0xC000, s7;
	s15 =	sadd.s32 $0x80, s19  }
0x11: {  	s4 =	sadd.s32 s21, s4;
	s9 =	sshrl.u32 s9, $0x3;
	s10 =	sadd.s32 s26, s0  }
0x12: {  	s0 =	sshll.u32 s17, $0x4;
	s17 =	sadd.s32 s20, s15;
	s16 =	sadd.s32 s1, s9  }
0x13: {  	s25 =	sadd.s32 $0x80, s4;
	s18 =	sshll.u32 s17, $0x4;
	[dreg:$0x6] =	wrdreg s16  }
0x14: {  	s16 =	sshll.u32 s15, $0x7;
	s15 =	sadd.s32 s26, s0;
	s17 =	sadd.s32 s26, s18  }
0x15: {  	s18 =	sshll.u32 s22, $0x7;
	s0 =	sadd.s32 s20, s22;
	s22 =	sadd.s32 $0x180, s19  }
0x16: {  	s16 =	sadd.s32 s16, s2;
	s18 =	sadd.s32 s18, s2;
	s0 =	sshll.u32 s0, $0x4  }
0x17: {  	s23 =	sadd.s32 s20, s22;
	s24 =	sshll.u32 s22, $0x7;
	s22 =	sadd.s32 $0x100, s4  }
0x18: {  	s19 =	sadd.s32 s26, s0;
	s0 =	sshll.u32 s23, $0x4;
	s20 =	sadd.s32 s24, s2  }
0x19: {  	s24 =	simm.s32 $0x100;
	s21 =	sadd.s32 s26, s0;
	s26 =	sshrl.u32 s25, $0x3  }
0x1a: {  	s25 =	simm.s32 $0x3;
	s23 =	sadd.s32 s26, s1;
	s26 =	simm.s32 $0x4100  }
.LBB2_1:
0x1b: {  	s0 =	rddreg [dreg:$0x4]  }
0x1c: {  	[tilespmem:s24], [sflag:$0x3] =	stream.linear.gather [hbm4b:s0+s3], $0x4000, $0x38;
	[tilespmem:$0x1BD00] =	vst v63  }
0x1d: {  	_ =	swait.ge [sflag:s25], $0x4000  }
0x1e: {  	[sflag:s25] =	ssyncset.done $0x0  }
0x1f: {  	s4 =	rddreg [dreg:$0x5];
	[sflag:s25] =	ssyncadd.s32 $0xFFFFC000  }
0x20: {  	[tilespmem:s26], [sflag:$0x3] =	stream.linear.gather [hbm4b:s4+s3], $0x4000, $0x38;
	[tilespmem:$0x1BD00] =	vst v63  }
0x21: {  	_ =	swait.ge [sflag:s25], $0x4000  }
0x22: {  	[sflag:s25] =	ssyncset.done $0x0  }
0x23: {  	[sflag:s25] =	ssyncadd.s32 $0xFFFFC000  }
0x24: {  	[spmem:s7] =	stream.linear.scatter [tilespmem:s26], [sflag:$0x3], $0x4000, $0x38;
	[tilespmem:$0x1BD00] =	vst v63  }
0x25: {  	_ =	swait.ge [sflag:s25], $0x4000  }
0x26: {  	[sflag:s25] =	ssyncset.done $0x0  }
0x27: {  	[sflag:s25] =	ssyncadd.s32 $0xFFFFC000  }
0x28: {  	[spmem:s12] =	stream.linear.scatter [tilespmem:s26], [sflag:$0x3], $0x4000, $0x38;
	[tilespmem:$0x1BD00] =	vst v63  }
0x29: {  	_ =	swait.ge [sflag:s25], $0x4000  }
0x2a: {  	[sflag:s25] =	ssyncset.done $0x0  }
0x2b: {  	[sflag:s25] =	ssyncadd.s32 $0xFFFFC000  }
0x2c: {  	[spmem:s13] =	stream.linear.scatter [tilespmem:s26], [sflag:$0x3], $0x4000, $0x38;
	[tilespmem:$0x1BD00] =	vst v63  }
0x2d: {  	_ =	swait.ge [sflag:s25], $0x4000  }
0x2e: {  	[sflag:s25] =	ssyncset.done $0x0  }
0x2f: {  	[sflag:s25] =	ssyncadd.s32 $0xFFFFC000  }
0x30: {  	[spmem:s14] =	stream.linear.scatter [tilespmem:s26], [sflag:$0x3], $0x4000, $0x38;
	[tilespmem:$0x1BD00] =	vst v63  }
0x31: {  	_ =	swait.ge [sflag:s25], $0x4000  }
0x32: {  	[sflag:s25] =	ssyncset.done $0x0  }
0x33: {  	[sflag:s25] =	ssyncadd.s32 $0xFFFFC000  }
0x34: {  	[spmem:s8] =	stream.linear.scatter [tilespmem:s26], [sflag:$0x3], $0x3C00, $0x38;
	[tilespmem:$0x1BD00] =	vst v63  }
0x35: {  	_ =	swait.ge [sflag:s25], $0x3C00  }
0x36: {  	[sflag:s25] =	ssyncset.done $0x0  }
0x37: {  	[sflag:s25] =	ssyncadd.s32 $0xFFFFC400  }
0x38: {  	[bflag:$0x0] =	sbarrier.arrive $0xFFFF  }
0x39: {  	s5 =	rddreg [dreg:$0x6]  }
0x3a: {  	[tilespmem:s3], [sflag:$0x1] =	stream.linear.gather [hbm4b:s5+s3], $0x80, $0x38;
	[tilespmem:$0x1BD00] =	vst v63  }
0x3b: {  	s6 =	sadd.s32 $0x0, s23  }
0x3c: {  	[tilespmem:s28], [sflag:$0x2] =	stream.linear.gather [hbm4b:s6+s3], $0x80, $0x38;
	[tilespmem:$0x1BD00] =	vst v63  }
0x3d: {  	_ =	swait.ge [sflag:s29], $0x80  }
0x3e: {  	[sflag:s29] =	ssyncset.done $0x0  }
0x3f: {  	[sflag:s29] =	ssyncadd.s32 $0xFFFFFF80  }
0x40: {  	[spmem:s2] =	stream.indirect.scatter.add.f32 [tilespmem:s24], [sflag:$0x3], $0x80, s3, s28, $0xb8;
	[tilespmem:$0x1BD00] =	vst v63  }
0x41: {  	_ =	swait.ge [sflag:s25], $0x4000  }
0x42: {  	s9 =	sshrl.u32 s22, $0x3;
	[sflag:s25] =	ssyncset.done $0x0  }
0x43: {  	s0 =	sadd.s32 s1, s9;
	[sflag:s25] =	ssyncadd.s32 $0xFFFFC000  }
0x44: {  	[tilespmem:s3], [sflag:$0x1] =	stream.linear.gather [hbm4b:s0+s3], $0x80, $0x38;
	[tilespmem:$0x1BD00] =	vst v63  }
0x45: {  	_ =	swait.ge [sflag:s30], $0x80  }
0x46: {  	[sflag:s30] =	ssyncset.done $0x0  }
0x47: {  	[sflag:s30] =	ssyncadd.s32 $0xFFFFFF80  }
0x48: {  	[spmem:s2] =	stream.indirect.scatter.add.f32 [tilespmem:s24], [sflag:$0x3], $0x80, s28, s28, $0xb8;
	[tilespmem:$0x1BD00] =	vst v63  }
0x49: {  	s4 =	simm.s32 $0x20;
	_ =	swait.ge [sflag:s25], $0x4000  }
0x4a: {  	s5 =	simm.s32 $0x40;
	s0 =	sadd.s32 $0x100, s22;
	[sflag:s25] =	ssyncset.done $0x0  }
.LBB2_2:
0x4b: {  	s6 =	sadd.s32 s4, s23  }
0x4c: {  	[sflag:s25] =	ssyncadd.s32 $0xFFFFC000;
	s4 =	smov.u32 s5;
	s9 =	sadd.s32 $0x20, s5  }
0x4d: {  	[tilespmem:s28], [sflag:$0x2] =	stream.linear.gather [hbm4b:s6+s3], $0x80, $0x38;
	[tilespmem:$0x1BD00] =	vst v63  }
0x4e: {  	p0 =	sne.s32 s5, $0x4E0;
	_ =	swait.ge [sflag:s29], $0x80  }
0x4f: {  	[sflag:s29] =	ssyncset.done $0x0  }
0x50: {  	[sflag:s29] =	ssyncadd.s32 $0xFFFFFF80  }
0x51: {  	[spmem:s2] =	stream.indirect.scatter.add.f32 [tilespmem:s24], [sflag:$0x3], $0x80, s3, s28, $0xb8;
	[tilespmem:$0x1BD00] =	vst v63  }
0x52: {  	_ =	swait.ge [sflag:s25], $0x4000  }
0x53: {  	s5 =	sshrl.u32 s0, $0x3;
	[sflag:s25] =	ssyncset.done $0x0  }
0x54: {  	s5 =	sadd.s32 s1, s5;
	[sflag:s25] =	ssyncadd.s32 $0xFFFFC000  }
0x55: {  	[tilespmem:s3], [sflag:$0x1] =	stream.linear.gather [hbm4b:s5+s3], $0x80, $0x38;
	[tilespmem:$0x1BD00] =	vst v63  }
0x56: {  	_ =	swait.ge [sflag:s30], $0x80  }
.Ltmp0:
0x57: {  	[sflag:s30] =	ssyncset.done $0x0;
	(pc) =	sbr.rel @p0 .LBB2_2-.Ltmp0, $4  }
0x58: {  	[sflag:s30] =	ssyncadd.s32 $0xFFFFFF80  }
0x59: {  	[spmem:s2] =	stream.indirect.scatter.add.f32 [tilespmem:s24], [sflag:$0x3], $0x80, s28, s28, $0xb8;
	[tilespmem:$0x1BD00] =	vst v63  }
0x5a: {  	_ =	swait.ge [sflag:s25], $0x4000  }
0x5b: {  	s0 =	sadd.s32 $0x100, s0;
	s5 =	smov.u32 s9;
	[sflag:s25] =	ssyncset.done $0x0  }
0x5c: {  	s4 =	sadd.s32 s4, s23;
	[sflag:s25] =	ssyncadd.s32 $0xFFFFC000  }
0x5d: {  	[tilespmem:s28], [sflag:$0x2] =	stream.linear.gather [hbm4b:s4+s3], $0x80, $0x38;
	[tilespmem:$0x1BD00] =	vst v63  }
0x5e: {  	_ =	swait.ge [sflag:s29], $0x80  }
0x5f: {  	[sflag:s29] =	ssyncset.done $0x0  }
0x60: {  	[sflag:s29] =	ssyncadd.s32 $0xFFFFFF80  }
0x61: {  	[spmem:s2] =	stream.indirect.scatter.add.f32 [tilespmem:s24], [sflag:$0x3], $0x80, s3, s28, $0xb8;
	[tilespmem:$0x1BD00] =	vst v63  }
0x62: {  	_ =	swait.ge [sflag:s25], $0x4000  }
0x63: {  	s0 =	sshrl.u32 s0, $0x3;
	[sflag:s25] =	ssyncset.done $0x0  }
0x64: {  	s0 =	sadd.s32 s1, s0;
	[sflag:s25] =	ssyncadd.s32 $0xFFFFC000  }
0x65: {  	[tilespmem:s3], [sflag:$0x1] =	stream.linear.gather [hbm4b:s0+s3], $0x80, $0x38;
	[tilespmem:$0x1BD00] =	vst v63  }
0x66: {  	_ =	swait.ge [sflag:s30], $0x80  }
0x67: {  	[sflag:s30] =	ssyncset.done $0x0  }
0x68: {  	[sflag:s30] =	ssyncadd.s32 $0xFFFFFF80  }
0x69: {  	[spmem:s2] =	stream.indirect.scatter.add.f32 [tilespmem:s24], [sflag:$0x3], $0x80, s28, s28, $0xb8;
	[tilespmem:$0x1BD00] =	vst v63  }
0x6a: {  	_ =	swait.ge [sflag:s25], $0x4000  }
0x6b: {  	[sflag:s25] =	ssyncset.done $0x0  }
0x6c: {  	[sflag:s25] =	ssyncadd.s32 $0xFFFFC000  }
0x6d: {  	_ =	swait.ge [sflag:s29], $0x80  }
0x6e: {  	[sflag:s29] =	ssyncset.done $0x0  }
0x6f: {  	[sflag:s29] =	ssyncadd.s32 $0xFFFFFF80  }
0x70: {  	[spmem:s2] =	stream.indirect.scatter.add.f32 [tilespmem:s24], [sflag:$0x3], $0x80, s3, s28, $0xb8;
	[tilespmem:$0x1BD00] =	vst v63  }
0x71: {  	_ =	swait.ge [sflag:s25], $0x4000  }
0x72: {  	[sflag:s25] =	ssyncset.done $0x0  }
0x73: {  	[sflag:s25] =	ssyncadd.s32 $0xFFFFC000  }
0x74: {  	[bflag:$0x0] =	sbarrier.arrive $0xFFFF  }
0x75: {  	[tilespmem:s26], [sflag:$0x3] =	stream.linear.gather [spmem:s7], $0x4000, $0x38;
	[tilespmem:$0x1BD00] =	vst v63  }
0x76: {  	_ =	swait.ge [sflag:s25], $0x4000  }
0x77: {  	[sflag:s25] =	ssyncset.done $0x0  }
0x78: {  	[sflag:s25] =	ssyncadd.s32 $0xFFFFC000  }
0x79: {  	[hbm4b:s15+s3] =	stream.linear.scatter [tilespmem:s26], [sflag:$0x3], $0x4000, $0x38;
	[tilespmem:$0x1BD00] =	vst v63  }
0x7a: {  	_ =	swait.ge [sflag:s25], $0x4000  }
0x7b: {  	[sflag:s25] =	ssyncset.done $0x0  }
0x7c: {  	[sflag:s25] =	ssyncadd.s32 $0xFFFFC000  }
0x7d: {  	[tilespmem:s26], [sflag:$0x3] =	stream.linear.gather [spmem:s16], $0x4000, $0x38;
	[tilespmem:$0x1BD00] =	vst v63  }
0x7e: {  	_ =	swait.ge [sflag:s25], $0x4000  }
0x7f: {  	[sflag:s25] =	ssyncset.done $0x0  }
0x80: {  	[sflag:s25] =	ssyncadd.s32 $0xFFFFC000  }
0x81: {  	[hbm4b:s17+s3] =	stream.linear.scatter [tilespmem:s26], [sflag:$0x3], $0x4000, $0x38;
	[tilespmem:$0x1BD00] =	vst v63  }
0x82: {  	_ =	swait.ge [sflag:s25], $0x4000  }
0x83: {  	[sflag:s25] =	ssyncset.done $0x0  }
0x84: {  	[sflag:s25] =	ssyncadd.s32 $0xFFFFC000  }
0x85: {  	[tilespmem:s26], [sflag:$0x3] =	stream.linear.gather [spmem:s18], $0x4000, $0x38;
	[tilespmem:$0x1BD00] =	vst v63  }
0x86: {  	_ =	swait.ge [sflag:s25], $0x4000  }
0x87: {  	[sflag:s25] =	ssyncset.done $0x0  }
0x88: {  	[sflag:s25] =	ssyncadd.s32 $0xFFFFC000  }
0x89: {  	[hbm4b:s19+s3] =	stream.linear.scatter [tilespmem:s26], [sflag:$0x3], $0x4000, $0x38;
	[tilespmem:$0x1BD00] =	vst v63  }
0x8a: {  	_ =	swait.ge [sflag:s25], $0x4000  }
0x8b: {  	[sflag:s25] =	ssyncset.done $0x0  }
0x8c: {  	[sflag:s25] =	ssyncadd.s32 $0xFFFFC000  }
0x8d: {  	[tilespmem:s26], [sflag:$0x3] =	stream.linear.gather [spmem:s20], $0x4000, $0x38;
	[tilespmem:$0x1BD00] =	vst v63  }
0x8e: {  	_ =	swait.ge [sflag:s25], $0x4000  }
0x8f: {  	[sflag:s25] =	ssyncset.done $0x0  }
0x90: {  	[sflag:s25] =	ssyncadd.s32 $0xFFFFC000  }
0x91: {  	[hbm4b:s21+s3] =	stream.linear.scatter [tilespmem:s26], [sflag:$0x3], $0x4000, $0x38;
	[tilespmem:$0x1BD00] =	vst v63  }
0x92: {  	_ =	swait.ge [sflag:s25], $0x4000  }
0x93: {  	[sflag:s25] =	ssyncset.done $0x0  }
0x94: {  	[sflag:s25] =	ssyncadd.s32 $0xFFFFC000  }
0x95: {  	[tilespmem:s26], [sflag:$0x3] =	stream.linear.gather [spmem:s8], $0x3C00, $0x38;
	[tilespmem:$0x1BD00] =	vst v63  }
0x96: {  	s31 =	sadd.s32 $0x1, s31;
	_ =	swait.ge [sflag:s25], $0x3C00  }
0x97: {  	p0 =	sne.s32 s31, s11;
	[sflag:s25] =	ssyncset.done $0x0  }
.Ltmp1:
0x98: {  	[sflag:s25] =	ssyncadd.s32 $0xFFFFC400;
	(pc) =	sbr.rel @p0 .LBB2_1-.Ltmp1, $4  }
0x99: {  	[hbm4b:s10+s3] =	stream.linear.scatter [tilespmem:s26], [sflag:$0x3], $0x3C00, $0x38;
	[tilespmem:$0x1BD00] =	vst v63  }
0x9a: {  	_ =	swait.ge [sflag:s25], $0x3C00  }
0x9b: {  	[sflag:s25] =	ssyncset.done $0x0  }
0x9c: {  	[sflag:s25] =	ssyncadd.s32 $0xFFFFC400  }
0x9d: {  	_ =	sfence.sel $0x180000  }
0x9e: {  	[bflag:$0x0] =	sbarrier.arrive $0xFFFF  }
0x9f: {  	_ =	strace $0x90000047  }
0xa0: {  	s0 =	stileid.u32;
	[bflag:$0x2] =	sbarrier.arrive $0xFFFF  }
0xa1: {  	p0 =	sne.s32 s0, $0x0;
	s0 =	rddreg [dreg:$0x3]  }
0xa2: {  	s0 =	sadd.s32 @!p0 $0x100000, s0  }
0xa3: {  	[sflag:s0] =	ssyncadd.tile.s32 @!p0 $0x1;
	_ =	shalt  }
.Lfunc_end2:
_tile_overlayer_lowered:
.L_overlay_start_2:
0xa4: {  	(tag) =	ssettag $0x2  }
0xa5: {  	s0 =	rddreg [dreg:$0x0];
	s2 =	stileid.u32  }
0xa6: {  	s1 =	rddreg [dreg:$0x1];
	p0 =	sne.s32 s2, $0x0  }
0xa7: {  	s3 =	rddreg [dreg:$0x2];
	[bflag:$0x3] =	sbarrier.arrive $0xFFFF;
	s2 =	simm.s32 @!p0 $0x1C03  }
0xa8: {  	[timem:s3], [sflag:s2] =	dma.local @!p0 [hbm:s0], s1  }
0xa9: {  	s0 =	simm.s32 @!p0 $0x3  }
0xaa: {  	_ =	swait.ge @!p0 [sflag:s0], s1  }
0xab: {  	s1 =	ssub.s32 @!p0 $0x0, s1;
	[sflag:s0] =	ssyncset.done @!p0 $0x0  }
0xac: {  	[sflag:s0] =	ssyncadd.s32 @!p0 s1  }
0xad: {  	[bflag:$0x3] =	sbarrier.arrive $0xFFFF  }
0xae: {  	_ =	shalt  }

// kernel: kernel.9.cloned.1.call-start
scs
__scs_entry_jumppad:
0x0: {  	(pc) =	sbr.rel $0x88, $3  }
0x1: {  	(tag) =	ssettag $0x0;
	lr =	simm.s32 $0x1  }
0x2: {  	[smem:$0x3F9C] =	sst lr;
	_ =	strace $0xD0000000  }
0x3: {  	_ = 	snop  }
0x4: {  	_ = 	snop  }
0x5: {  	_ = 	snop  }
0x6: {  	_ = 	snop  }
0x7: {  	_ = 	snop  }
__scs_overlays_trampoline_lowered:
0x8: {  	[smem:$0x3FAB] =	sst s0  }
0x9: {  	[smem:$0x3FAC] =	sst s1  }
0xa: {  	[smem:$0x3FAD] =	sst s2  }
0xb: {  	[smem:$0x3FAE] =	sst s3  }
0xc: {  	[smem:$0x3FAF] =	sst s4  }
0xd: {  	[smem:$0x3FB0] =	sst s5  }
0xe: {  	[smem:$0x3FB1] =	sst s6  }
0xf: {  	[smem:$0x3FB2] =	sst s7  }
0x10: {  	[smem:$0x3FB3] =	sst s8  }
0x11: {  	[smem:$0x3FB4] =	sst s9;
	s0 =	simm.s32 @!p0 $0x0  }
0x12: {  	s1 =	sld [smem:$0x3F9A];
	s0 =	simm.s32 @p0 $0x1  }
0x13: {  	[smem:$0x3FB5] =	sst s0;
	s0 =	simm.s32 @!p1 $0x0  }
0x14: {  	s2 =	sld [smem:$0x3F99];
	s0 =	simm.s32 @p1 $0x1  }
0x15: {  	[smem:$0x3FB6] =	sst s0;
	s0 =	simm.s32 @!p2 $0x0  }
0x16: {  	s3 =	sld [smem:$0x3FDB];
	s0 =	simm.s32 @p2 $0x1  }
0x17: {  	s4 =	simm.s32 $0x1BF5;
	[smem:$0x3FB8] =	sst s0  }
0x18: {  	s0 =	sld [smem:$0x3F9B];
	_ =	swait.ge [sflag:s4], $0x0  }
0x19: {  	s7 =	sld [smem:$0x3F9C]  }
0x1a: {  	s8 =	sadd.s32 $0xFFFFE003, lr  }
0x1b: {  	s9 =	sadd.s32 $0xFFFFFEF7, lr;
	s5 =	simm.s32 $0xFFFFFFFF;
	p2 =	slt.u32 s8, $0xFFFFF086  }
0x1c: {  	p1 =	slt.u32 s9, $0xF7A;
	s5 =	simm.s32 @!p2 $0x0  }
0x1d: {  	s5 =	simm.s32 @p1 $0x1;
	p0 =	seq.s32 s7, s2  }
0x1e: {  	s7 =	smul.u32 @!p0 $0xF7A, s2;
	p2 =	seq.s32 @!p0 s5, $0x0  }
0x1f: {  	s9 =	smul.u32 $0xF7A, s1;
	s8 =	simm.s32 @!p0 $0x1BF5;
	p2 =	por !p2, p0  }
0x20: {  	[sflag:s8] =	ssyncset.s32 @!p0 $0xFFFFF086;
	s6 =	sadd.s32 @!p0 s3, s7;
	s7 =	simm.s32 @!p0 $0x108  }
0x21: {  	s3 =	sadd.s32 s3, s9;
	s6 =	sadd.s32 @!p0 $0x88, s6;
	s7 =	simm.s32 @p2 $0x1082  }
0x22: {  	[simem:s7], [sflag:s8] =	dma.local @!p0 [hbm:s6], $0xF7A  }
0x23: {  	s9 =	sor.u32 $0xD0000000, s2;
	s6 =	simm.s32 $0x108;
	_ =	swait.ge @!p0 [sflag:s8], $0x0  }
0x24: {  	s3 =	sadd.s32 $0x88, s3;
	s6 =	simm.s32 @!p1 $0x1082;
	[sflag:s4] =	ssyncset.s32 $0xFFFFF086  }
0x25: {  	[simem:s6], [sflag:s4] =	dma.local [hbm:s3], $0xF7A  }
0x26: {  	[smem:$0x3F9C] =	sst s1;
	(tag) =	ssettag s2;
	_ =	strace s9  }
0x27: {  	s1 =	sld [smem:$0x3FAC]  }
0x28: {  	s2 =	sld [smem:$0x3FAD]  }
0x29: {  	s4 =	sld [smem:$0x3FAF]  }
0x2a: {  	p0 =	seq.s32 s5, $0x0;
	s5 =	sld [smem:$0x3FB0]  }
0x2b: {  	s6 =	sld [smem:$0x3FB1]  }
0x2c: {  	s7 =	sld [smem:$0x3FB2]  }
0x2d: {  	s3 =	simm.s32 $0x108;
	s8 =	sld [smem:$0x3FB3]  }
0x2e: {  	s3 =	simm.s32 @!p0 $0x1082;
	s9 =	sld [smem:$0x3FB4]  }
0x2f: {  	lr =	sadd.s32 s0, s3;
	s0 =	sld [smem:$0x3FAB]  }
0x30: {  	s3 =	sld [smem:$0x3FAE]  }
0x31: {  	[smem:$0x3FB7] =	sst s10  }
0x32: {  	s10 =	sld [smem:$0x3FB5];
	_ =	sdelay $0x3  }
0x33: {  	p0 =	seq.s32 s10, $0x1;
	s10 =	sld [smem:$0x3FB7];
	_ =	sdelay $0x3  }
0x34: {  	[smem:$0x3FB7] =	sst s10  }
0x35: {  	s10 =	sld [smem:$0x3FB6];
	_ =	sdelay $0x3  }
0x36: {  	p1 =	seq.s32 s10, $0x1;
	s10 =	sld [smem:$0x3FB7];
	_ =	sdelay $0x3  }
0x37: {  	[smem:$0x3FB7] =	sst s10  }
0x38: {  	s10 =	sld [smem:$0x3FB8]  }
0x39: {  	_ = 	snop;
	(pc) =	sbr.ind lr, $3  }
0x3a: {  	_ = 	snop  }
0x3b: {  	_ = 	snop  }
0x3c: {  	p2 =	seq.s32 s10, $0x1;
	s10 =	sld [smem:$0x3FB7]  }
0x3d: {  	_ =	shalt  }
0x3e: {  	_ =	shalt  }
0x3f: {  	_ =	shalt  }
0x40: {  	_ =	shalt  }
0x41: {  	_ =	shalt  }
0x42: {  	_ =	shalt  }
0x43: {  	_ =	shalt  }
0x44: {  	_ =	shalt  }
0x45: {  	_ =	shalt  }
0x46: {  	_ =	shalt  }
0x47: {  	_ =	shalt  }
0x48: {  	_ =	shalt  }
0x49: {  	_ =	shalt  }
0x4a: {  	_ =	shalt  }
0x4b: {  	_ =	shalt  }
0x4c: {  	_ =	shalt  }
0x4d: {  	_ =	shalt  }
0x4e: {  	_ =	shalt  }
0x4f: {  	_ =	shalt  }
0x50: {  	_ =	shalt  }
0x51: {  	_ =	shalt  }
0x52: {  	_ =	shalt  }
0x53: {  	_ =	shalt  }
0x54: {  	_ =	shalt  }
0x55: {  	_ =	shalt  }
0x56: {  	_ =	shalt  }
0x57: {  	_ =	shalt  }
0x58: {  	_ =	shalt  }
0x59: {  	_ =	shalt  }
0x5a: {  	_ =	shalt  }
0x5b: {  	_ =	shalt  }
0x5c: {  	_ =	shalt  }
0x5d: {  	_ =	shalt  }
0x5e: {  	_ =	shalt  }
0x5f: {  	_ =	shalt  }
0x60: {  	_ =	shalt  }
0x61: {  	_ =	shalt  }
0x62: {  	_ =	shalt  }
0x63: {  	_ =	shalt  }
0x64: {  	_ =	shalt  }
0x65: {  	_ =	shalt  }
0x66: {  	_ =	shalt  }
0x67: {  	_ =	shalt  }
0x68: {  	_ =	shalt  }
0x69: {  	_ =	shalt  }
0x6a: {  	_ =	shalt  }
0x6b: {  	_ =	shalt  }
0x6c: {  	_ =	shalt  }
0x6d: {  	_ =	shalt  }
0x6e: {  	_ =	shalt  }
0x6f: {  	_ =	shalt  }
0x70: {  	_ =	shalt  }
0x71: {  	_ =	shalt  }
0x72: {  	_ =	shalt  }
0x73: {  	_ =	shalt  }
0x74: {  	_ =	shalt  }
0x75: {  	_ =	shalt  }
0x76: {  	_ =	shalt  }
0x77: {  	_ =	shalt  }
0x78: {  	_ =	shalt  }
0x79: {  	_ =	shalt  }
0x7a: {  	_ =	shalt  }
0x7b: {  	_ =	shalt  }
0x7c: {  	_ =	shalt  }
0x7d: {  	_ =	shalt  }
0x7e: {  	_ =	shalt  }
0x7f: {  	_ =	shalt  }
0x80: {  	_ =	shalt  }
0x81: {  	_ =	shalt  }
0x82: {  	_ =	shalt  }
0x83: {  	_ =	shalt  }
0x84: {  	_ =	shalt  }
0x85: {  	_ =	shalt  }
0x86: {  	_ =	shalt  }
0x87: {  	_ =	shalt  }
.Lfunc_end0:
.L_simem_size_0:
called_computation.1_lowered:
.L_overlay_start_0:
0x88: {  	s2 =	sld [smem:$0x3FD9]  }
0x89: {  	s3 =	sld [smem:$0x3FFE];
	_ =	sdelay $0x1  }
0x8a: {  	s1 =	srdreg.scid  }
0x8b: {  	s0 =	sand.u32 $0x1, s1  }
0x8c: {  	s17 =	sshll.u32 s0, $0xA;
	s2 =	sadd.s32 s3, s2  }
0x8d: {  	s2 =	sadd.s32 s2, s17  }
0x8e: {  	[smem:$0x3FC3] =	sst s2  }
0x8f: {  	_ = 	snop  }
0x90: {  	s2 =	sld [smem:$0x3FD0];
	(tm) =	ssettm $0x1  }
0x91: {  	s18 =	sld [smem:$0x3FFB];
	_ =	sdelay $0x3  }
0x92: {  	_ =	strace s18  }
0x93: {  	s3 =	sld [smem:$0x3FFC];
	_ =	sdelay $0x3  }
0x94: {  	_ =	strace s3  }
0x95: {  	s3 =	sld [smem:$0x3FFD];
	_ =	sdelay $0x3  }
0x96: {  	_ =	strace s3  }
0x97: {  	_ =	strace $0x8FFFFFFF  }
0x98: {  	s19 =	sld [smem:$0x3FDB];
	_ =	sdelay $0x1  }
0x99: {  	s4 =	simm.s32 $_scs_section_size  }
0x9a: {  	s5 =	simm.s32 $_size__tile_overlayer_lowered;
	s6 =	simm.s32 $_tile_overlayer_lowered  }
0x9b: {  	s22 =	simm.s32 $0x1BFF;
	s21 =	sshll.u32 s6, $0x1;
	s3 =	sadd.s32 s4, s19  }
0x9c: {  	s7 =	simm.s32 $0x0;
	s20 =	sshll.u32 s5, $0x1;
	s5 =	sadd.s32 s21, s3  }
0x9d: {  	[timem:s7], [sflag:s22] =	dma.local [hbm:s5], s20  }
0x9e: {  	_ =	swait.ge [sflag:s22], s20  }
0x9f: {  	s4 =	ssub.s32 $0x0, s20;
	[sflag:s22] =	ssyncset.done $0x0  }
0xa0: {  	[sflag:s22] =	ssyncadd.s32 s4;
	_ =	sdelay $0x1  }
0xa1: {  	s23 =	simm.s32 $0x1B8B  }
0xa2: {  	_ =	swait.ge [sflag:s23], $0x1  }
0xa3: {  	[sflag:s23] =	ssyncset.done $0x0  }
0xa4: {  	s25 =	simm.s32 $0x1B8E;
	s24 =	sld [smem:$0x3FFE];
	[sflag:s23] =	ssyncadd.s32 $0xFFFFFFFF  }
0xa5: {  	s26 =	simm.s32 $execute0_lowered;
	[smem:$0x3FD2] =	sst s25  }
0xa6: {  	s5 =	sshll.u32 s26, $0x1;
	_ =	strace $0x80000049;
	[dreg:$0x1] =	wrdreg $0xFFFFFFFF  }
0xa7: {  	s28 =	simm.s32 $_size_execute0_lowered;
	s3 =	sadd.s32 s3, s5;
	[dreg:$0x0] =	wrdreg $0x0  }
0xa8: {  	s5 =	sshll.u32 s28, $0x1;
	[dreg:$0x2] =	wrdreg s3  }
0xa9: {  	[dreg:$0x3] =	wrdreg s5  }
0xaa: {  	[dreg:$0x4] =	wrdreg $0xC0  }
0xab: {  	_ =	task [dreg:s7], $0x5FFFF  }
0xac: {  	[dreg:$0x1] =	wrdreg $0xFFFFFFFF  }
0xad: {  	[dreg:$0x0] =	wrdreg $0x60  }
0xae: {  	[dreg:$0x2] =	wrdreg s24  }
0xaf: {  	[dreg:$0x3] =	wrdreg s2  }
0xb0: {  	[dreg:$0x4] =	wrdreg $0xC3000  }
0xb1: {  	[dreg:$0x5] =	wrdreg $0x9  }
0xb2: {  	_ =	task.clear_ibuf [dreg:s7], $0x6FFFF;
	_ =	strace $0x90000049  }
0xb3: {  	s29 =	simm.s32 $0x9;
	_ =	strace $0x8000004B  }
0xb4: {  	_ =	swait.ge [sflag:s29], $0x1  }
0xb5: {  	[sflag:s29] =	ssyncadd.s32 $0xFFFFFFFF  }
0xb6: {  	_ =	strace $0x9000004B  }
0xb7: {  	_ =	sfence  }
0xb8: {  	s30 =	sld [smem:$0x0];
	_ =	sdelay $0x2  }
0xb9: {  	s31 =	sshll.u32 s1, $0xD;
	s1 =	sshrl.u32 s1, $0x2  }
0xba: {  	s3 =	sand.u32 $0x4000, s31;
	s1 =	sadd.s32 s1, s30  }
0xbb: {  	s0 =	sor.u32 s3, s0;
	s1 =	sshll.u32 s1, $0x11  }
0xbc: {  	s0 =	sor.u32 s1, s0  }
0xbd: {  	s0 =	sadd.s32 $0x8F2B, s0  }
0xbe: {  	[sflag:s0] =	ssyncadd.remote.s32 $0x1  }
0xbf: {  	_ =	sfence.sel $0xFFFF  }
0xc0: {  	[dreg:$0x0] =	wrdreg $0xFFFFFFFF;
	(pc) =	sbr.abs _section_cstart, $3  }
0xc1: {  	[dreg:$0x1] =	wrdreg $0xFFFFFFFF  }
0xc2: {  	_ =	task.clear_ibuf [dreg:s7], $0x2FFFF;
	_ =	strace $0x9FFFFFFF  }
0xc3: {  	(tm) =	ssettm $0x7FFFFFFF  }
tec
execute0_lowered:
.L_overlay_start_1:
0x0: {  	(tag) =	ssettag $0x1  }
0x1: {  	s0 =	rddreg [dreg:$0x0]  }
0x2: {  	s1 =	rddreg [dreg:$0x1]  }
0x3: {  	s2 =	rddreg [dreg:$0x2]  }
0x4: {  	s3 =	simm.s32 $0x0;
	s4 =	srdreg.scid;
	s17 =	stileid.u32  }
0x5: {  	s29 =	simm.s32 $0x300;
	s30 =	simm.s32 $0x4;
	s31 =	simm.s32 $0x180  }
0x6: {  	[smem:$0x7FF] =	sst s3;
	s5 =	sadd.s32 $0x32E00, s0;
	s9 =	smul.u32 $0x278, s17  }
0x7: {  	s6 =	sadd.s32 $0x1A00, s0;
	s4 =	sand.u32 $0x1, s4;
	s15 =	smul.u32 $0x2880, s17  }
0x8: {  	s0 =	sadd.s32 $0x5A600, s0;
	s28 =	smul.u32 $0x4F000, s17;
	_ =	strace $0x8000004A  }
0x9: {  	s7 =	ssub.s32 $0x2, s4;
	s8 =	sshll.u32 s4, $0x4;
	s13 =	smul.u32 $0x2780, s4  }
0xa: {  	s4 =	smul.u32 $0x28800, s4;
	s10 =	sshrl.u32 s7, $0x1;
	s8 =	sor.u32 s17, s8  }
0xb: {  	s16 =	sadd.s32 $0x200, s9;
	s22 =	sadd.s32 $0x80, s9;
	s7 =	ssub.s32 s7, s10  }
0xc: {  	s11 =	smul.u32 $0x2880, s8;
	s18 =	sshll.u32 s16, $0x4;
	s12 =	sshll.u32 s16, $0x7  }
0xd: {  	s10 =	sadd.s32 s13, s16;
	s14 =	sadd.s32 s13, s9;
	s16 =	sadd.s32 s13, s22  }
0xe: {  	s4 =	sadd.s32 s15, s4;
	s8 =	sadd.s32 s5, s18;
	s10 =	sshll.u32 s10, $0x4  }
0xf: {  	s14 =	sshll.u32 s14, $0x4;
	s23 =	sshll.u32 s16, $0x4;
	s15 =	sadd.s32 $0x200, s4  }
0x10: {  	s26 =	sadd.s32 $0x100, s4;
	s7 =	smax.u32 s7, $0x1;
	[dreg:$0x8] =	wrdreg s8  }
0x11: {  	s8 =	sadd.s32 s12, s2;
	s10 =	sadd.s32 s0, s10;
	[dreg:$0x12] =	wrdreg s7  }
0x12: {  	s11 =	sshrl.u32 s11, $0x3;
	s14 =	sadd.s32 s0, s14;
	[dreg:$0xc] =	wrdreg s10  }
0x13: {  	s15 =	sshrl.u32 s15, $0x3;
	s19 =	sadd.s32 s6, s11;
	[dreg:$0xd] =	wrdreg s14  }
0x14: {  	s20 =	sadd.s32 $0x10, s11;
	s11 =	sadd.s32 s1, s11;
	[dreg:$0x9] =	wrdreg s19  }
0x15: {  	s7 =	simm.s32 $0x280;
	s14 =	sadd.s32 s0, s23;
	[dreg:$0xa] =	wrdreg s11  }
0x16: {  	s25 =	sadd.s32 s15, s1;
	s16 =	sadd.s32 s15, s6;
	[dreg:$0xe] =	wrdreg s14  }
0x17: {  	s10 =	simm.s32 $0x1;
	s21 =	sadd.s32 s6, s20;
	[dreg:$0x4] =	wrdreg s25  }
0x18: {  	s11 =	sadd.s32 $0x100, s9;
	s9 =	sadd.s32 $0x180, s9;
	[dreg:$0x5] =	wrdreg s16  }
0x19: {  	s12 =	sadd.s32 s1, s20;
	s19 =	smul.u32 $0x2780, s17;
	[dreg:$0xb] =	wrdreg s21  }
0x1a: {  	s24 =	sadd.s32 s13, s11;
	s13 =	sadd.s32 s13, s9;
	[dreg:$0x11] =	wrdreg s12  }
0x1b: {  	s21 =	sshll.u32 s22, $0x4;
	s22 =	sshll.u32 s22, $0x7;
	s23 =	sshll.u32 s11, $0x4  }
0x1c: {  	s25 =	sshll.u32 s11, $0x7;
	s11 =	simm.s32 $0x3;
	s12 =	simm.s32 $0x0  }
0x1d: {  	s14 =	sshll.u32 s24, $0x4;
	s13 =	sshll.u32 s13, $0x4;
	s20 =	sadd.s32 s5, s19  }
0x1e: {  	s22 =	sadd.s32 s22, s2;
	s24 =	sadd.s32 s5, s23;
	[dreg:$0x13] =	wrdreg s20  }
0x1f: {  	s14 =	sadd.s32 s0, s14;
	s0 =	sadd.s32 s0, s13;
	[dreg:$0x15] =	wrdreg s24  }
0x20: {  	s13 =	sshrl.u32 s28, $0x2;
	s24 =	sadd.s32 s25, s2;
	[dreg:$0xf] =	wrdreg s14  }
0x21: {  	s28 =	sshll.u32 s9, $0x7;
	[dreg:$0x10] =	wrdreg s0;
	s0 =	sshrl.u32 s26, $0x3  }
0x22: {  	s26 =	sshll.u32 s9, $0x4;
	s14 =	sadd.s32 $0x180, s4;
	s18 =	sadd.s32 s0, s1  }
0x23: {  	s4 =	simm.s32 $0x100;
	s0 =	sadd.s32 s0, s6;
	[dreg:$0x6] =	wrdreg s18  }
0x24: {  	s9 =	simm.s32 $0x8300;
	[dreg:$0x7] =	wrdreg s0;
	s0 =	sadd.s32 s5, s21  }
0x25: {  	s18 =	sadd.s32 s13, s2;
	[dreg:$0x14] =	wrdreg s0;
	s0 =	sadd.s32 s5, s26  }
0x26: {  	s26 =	sadd.s32 s28, s2;
	[dreg:$0x16] =	wrdreg s0;
	s0 =	simm.s32 $0x80  }
.LBB2_1:
0x27: {  	s13 =	rddreg [dreg:$0x13]  }
0x28: {  	[tilespmem:s29], [sflag:$0x4] =	stream.linear.gather [hbm4b:s13+s3], $0x4000, $0x38;
	[tilespmem:$0x1FF00] =	vst v63  }
0x29: {  	_ =	swait.ge [sflag:s30], $0x4000  }
0x2a: {  	[sflag:s30] =	ssyncset.done $0x0  }
0x2b: {  	[sflag:s30] =	ssyncadd.s32 $0xFFFFC000  }
0x2c: {  	[spmem:s18] =	stream.linear.scatter [tilespmem:s29], [sflag:$0x4], $0x4000, $0x38;
	[tilespmem:$0x1FF00] =	vst v63  }
0x2d: {  	_ =	swait.ge [sflag:s30], $0x4000  }
0x2e: {  	[sflag:s30] =	ssyncset.done $0x0  }
0x2f: {  	s21 =	rddreg [dreg:$0x14];
	[sflag:s30] =	ssyncadd.s32 $0xFFFFC000  }
0x30: {  	[tilespmem:s29], [sflag:$0x4] =	stream.linear.gather [hbm4b:s21+s3], $0x4000, $0x38;
	[tilespmem:$0x1FF00] =	vst v63  }
0x31: {  	_ =	swait.ge [sflag:s30], $0x4000  }
0x32: {  	[sflag:s30] =	ssyncset.done $0x0  }
0x33: {  	[sflag:s30] =	ssyncadd.s32 $0xFFFFC000  }
0x34: {  	[spmem:s22] =	stream.linear.scatter [tilespmem:s29], [sflag:$0x4], $0x4000, $0x38;
	[tilespmem:$0x1FF00] =	vst v63  }
0x35: {  	_ =	swait.ge [sflag:s30], $0x4000  }
0x36: {  	[sflag:s30] =	ssyncset.done $0x0  }
0x37: {  	s23 =	rddreg [dreg:$0x15];
	[sflag:s30] =	ssyncadd.s32 $0xFFFFC000  }
0x38: {  	[tilespmem:s29], [sflag:$0x4] =	stream.linear.gather [hbm4b:s23+s3], $0x4000, $0x38;
	[tilespmem:$0x1FF00] =	vst v63  }
0x39: {  	_ =	swait.ge [sflag:s30], $0x4000  }
0x3a: {  	[sflag:s30] =	ssyncset.done $0x0  }
0x3b: {  	[sflag:s30] =	ssyncadd.s32 $0xFFFFC000  }
0x3c: {  	[spmem:s24] =	stream.linear.scatter [tilespmem:s29], [sflag:$0x4], $0x4000, $0x38;
	[tilespmem:$0x1FF00] =	vst v63  }
0x3d: {  	_ =	swait.ge [sflag:s30], $0x4000  }
0x3e: {  	[sflag:s30] =	ssyncset.done $0x0  }
0x3f: {  	s25 =	rddreg [dreg:$0x16];
	[sflag:s30] =	ssyncadd.s32 $0xFFFFC000  }
0x40: {  	[tilespmem:s29], [sflag:$0x4] =	stream.linear.gather [hbm4b:s25+s3], $0x4000, $0x38;
	[tilespmem:$0x1FF00] =	vst v63  }
0x41: {  	_ =	swait.ge [sflag:s30], $0x4000  }
0x42: {  	[sflag:s30] =	ssyncset.done $0x0  }
0x43: {  	[sflag:s30] =	ssyncadd.s32 $0xFFFFC000  }
0x44: {  	[spmem:s26] =	stream.linear.scatter [tilespmem:s29], [sflag:$0x4], $0x4000, $0x38;
	[tilespmem:$0x1FF00] =	vst v63  }
0x45: {  	_ =	swait.ge [sflag:s30], $0x4000  }
0x46: {  	[sflag:s30] =	ssyncset.done $0x0  }
0x47: {  	s15 =	rddreg [dreg:$0x8];
	[sflag:s30] =	ssyncadd.s32 $0xFFFFC000  }
0x48: {  	[tilespmem:s29], [sflag:$0x4] =	stream.linear.gather [hbm4b:s15+s3], $0x3C00, $0x38;
	[tilespmem:$0x1FF00] =	vst v63  }
0x49: {  	_ =	swait.ge [sflag:s30], $0x3C00  }
0x4a: {  	[sflag:s30] =	ssyncset.done $0x0  }
0x4b: {  	[sflag:s30] =	ssyncadd.s32 $0xFFFFC400  }
0x4c: {  	[spmem:s8] =	stream.linear.scatter [tilespmem:s29], [sflag:$0x4], $0x3C00, $0x38;
	[tilespmem:$0x1FF00] =	vst v63  }
0x4d: {  	_ =	swait.ge [sflag:s30], $0x3C00  }
0x4e: {  	[sflag:s30] =	ssyncset.done $0x0  }
0x4f: {  	[sflag:s30] =	ssyncadd.s32 $0xFFFFC400  }
0x50: {  	[bflag:$0x0] =	sbarrier.arrive $0xFFFF  }
0x51: {  	s16 =	rddreg [dreg:$0x9]  }
0x52: {  	[tilespmem:s3], [sflag:$0x4] =	stream.linear.gather [hbm4b:s16+s3], $0x80, $0x38;
	[tilespmem:$0x1FF00] =	vst v63  }
0x53: {  	_ =	swait.ge [sflag:s30], $0x80  }
0x54: {  	[sflag:s30] =	ssyncset.done $0x0  }
0x55: {  	s17 =	rddreg [dreg:$0xa];
	[sflag:s30] =	ssyncadd.s32 $0xFFFFFF80  }
0x56: {  	[tilespmem:s31], [sflag:$0x4] =	stream.linear.gather [hbm4b:s17+s3], $0x80, $0x38;
	[tilespmem:$0x1FF00] =	vst v63  }
0x57: {  	_ =	swait.ge [sflag:s30], $0x80  }
0x58: {  	[sflag:s30] =	ssyncset.done $0x0  }
0x59: {  	[sflag:s30] =	ssyncadd.s32 $0xFFFFFF80  }
0x5a: {  	[tilespmem:s29], [sflag:$0x1] =	stream.indirect.gather [hbm4b:s5+s0], $0x80, s3, s0, $0xb8;
	[tilespmem:$0x1FF00] =	vst v63  }
0x5b: {  	s19 =	rddreg [dreg:$0xb]  }
0x5c: {  	[tilespmem:s0], [sflag:$0x4] =	stream.linear.gather [hbm4b:s19+s3], $0x80, $0x38;
	[tilespmem:$0x1FF00] =	vst v63  }
0x5d: {  	_ =	swait.ge [sflag:s30], $0x80  }
0x5e: {  	[sflag:s30] =	ssyncset.done $0x0  }
0x5f: {  	s15 =	simm.s32 $0x200;
	s20 =	rddreg [dreg:$0x11];
	[sflag:s30] =	ssyncadd.s32 $0xFFFFFF80  }
0x60: {  	[tilespmem:s15], [sflag:$0x4] =	stream.linear.gather [hbm4b:s20+s3], $0x80, $0x38;
	[tilespmem:$0x1FF00] =	vst v63  }
0x61: {  	_ =	swait.ge [sflag:s30], $0x80  }
0x62: {  	[sflag:s30] =	ssyncset.done $0x0  }
0x63: {  	s23 =	simm.s32 $0x4300;
	s21 =	rddreg [dreg:$0x7];
	[sflag:s30] =	ssyncadd.s32 $0xFFFFFF80  }
0x64: {  	[tilespmem:s23], [sflag:$0x2] =	stream.indirect.gather [hbm4b:s5+s0], $0x80, s0, s0, $0xb8;
	[tilespmem:$0x1FF00] =	vst v63  }
0x65: {  	s13 =	sadd.s32 $0x0, s21  }
0x66: {  	[tilespmem:s4], [sflag:$0x4] =	stream.linear.gather [hbm4b:s13+s3], $0x80, $0x38;
	[tilespmem:$0x1FF00] =	vst v63  }
0x67: {  	_ =	swait.ge [sflag:s30], $0x80  }
0x68: {  	s25 =	rddreg [dreg:$0x6];
	[sflag:s30] =	ssyncset.done $0x0  }
0x69: {  	[sflag:s30] =	ssyncadd.s32 $0xFFFFFF80;
	s13 =	sadd.s32 $0x0, s25  }
0x6a: {  	[tilespmem:s7], [sflag:$0x4] =	stream.linear.gather [hbm4b:s13+s3], $0x80, $0x38;
	[tilespmem:$0x1FF00] =	vst v63  }
0x6b: {  	_ =	swait.ge [sflag:s30], $0x80  }
0x6c: {  	[sflag:s30] =	ssyncset.done $0x0  }
0x6d: {  	[sflag:s30] =	ssyncadd.s32 $0xFFFFFF80  }
0x6e: {  	[tilespmem:s9], [sflag:$0x3] =	stream.indirect.gather [hbm4b:s5+s0], $0x80, s4, s0, $0xb8;
	[tilespmem:$0x1FF00] =	vst v63  }
0x6f: {  	_ =	swait.ge [sflag:s10], $0x4000  }
0x70: {  	[sflag:s10] =	ssyncset.done $0x0  }
0x71: {  	[sflag:s10] =	ssyncadd.s32 $0xFFFFC000  }
0x72: {  	[spmem:s2] =	stream.indirect.scatter.add.f32 [tilespmem:s29], [sflag:$0x4], $0x80, s31, s0, $0xb8;
	[tilespmem:$0x1FF00] =	vst v63  }
0x73: {  	_ =	swait.ge [sflag:s30], $0x4000  }
0x74: {  	p0 =	por $0x0, $0x0;
	[sflag:s30] =	ssyncset.done $0x0  }
0x75: {  	s13 =	simm.s32 @p0 $0x2;
	[sflag:s30] =	ssyncadd.s32 $0xFFFFC000  }
0x76: {  	_ =	swait.ge @p0 [sflag:s13], $0x4000  }
0x77: {  	s16 =	simm.s32 @p0 $0x4;
	s17 =	simm.s32 @p0 $0x200;
	[sflag:s13] =	ssyncset.done @p0 $0x0  }
0x78: {  	s15 =	simm.s32 @p0 $0x4300;
	[sflag:s13] =	ssyncadd.s32 @p0 $0xFFFFC000;
	s13 =	simm.s32 @p0 $0x80  }
0x79: {  	[spmem:s2] =	stream.indirect.scatter.add.f32 @p0 [tilespmem:s15], [sflag:$0x4], $0x80, s17, s13, $0xb8;
	[tilespmem:$0x1FF00] =	vst v63  }
0x7a: {  	_ =	swait.ge @p0 [sflag:s16], $0x4000  }
0x7b: {  	s13 =	sshrl.u32 @!p0 s14, $0x3;
	s17 =	simm.s32 @!p0 $0x4;
	[sflag:s16] =	ssyncset.done @p0 $0x0  }
0x7c: {  	s15 =	sadd.s32 @!p0 s6, s13;
	[sflag:s16] =	ssyncadd.s32 @p0 $0xFFFFC000;
	s16 =	simm.s32 @!p0 $0x0  }
0x7d: {  	[tilespmem:s16], [sflag:$0x4] =	stream.linear.gather @!p0 [hbm4b:s15+s16], $0x80, $0x38;
	[tilespmem:$0x1FF00] =	vst v63  }
0x7e: {  	_ =	swait.ge @!p0 [sflag:s17], $0x80  }
0x7f: {  	[sflag:s17] =	ssyncset.done @!p0 $0x0  }
0x80: {  	s13 =	sadd.s32 @!p0 s1, s13;
	s15 =	simm.s32 @!p0 $0x180;
	[sflag:s17] =	ssyncadd.s32 @!p0 $0xFFFFFF80  }
0x81: {  	[tilespmem:s15], [sflag:$0x4] =	stream.linear.gather @!p0 [hbm4b:s13+s16], $0x80, $0x38;
	[tilespmem:$0x1FF00] =	vst v63  }
0x82: {  	_ =	swait.ge @!p0 [sflag:s17], $0x80  }
0x83: {  	s28 =	simm.s32 @!p0 $0x300;
	[sflag:s17] =	ssyncset.done @!p0 $0x0  }
0x84: {  	s13 =	simm.s32 @!p0 $0x2;
	s15 =	simm.s32 @!p0 $0x80;
	[sflag:s17] =	ssyncadd.s32 @!p0 $0xFFFFFF80  }
0x85: {  	[tilespmem:s28], [sflag:$0x1] =	stream.indirect.gather @!p0 [hbm4b:s5+s15], $0x80, s16, s15, $0xb8;
	[tilespmem:$0x1FF00] =	vst v63  }
0x86: {  	_ =	swait.ge @!p0 [sflag:s13], $0x4000  }
0x87: {  	[sflag:s13] =	ssyncset.done @!p0 $0x0  }
0x88: {  	s28 =	simm.s32 @!p0 $0x4300;
	[sflag:s13] =	ssyncadd.s32 @!p0 $0xFFFFC000;
	s13 =	simm.s32 @!p0 $0x200  }
0x89: {  	[spmem:s2] =	stream.indirect.scatter.add.f32 @!p0 [tilespmem:s28], [sflag:$0x4], $0x80, s13, s15, $0xb8;
	[tilespmem:$0x1FF00] =	vst v63  }
0x8a: {  	_ =	swait.ge @!p0 [sflag:s17], $0x4000  }
0x8b: {  	s19 =	rddreg [dreg:$0x5];
	[sflag:s17] =	ssyncset.done @!p0 $0x0  }
0x8c: {  	[sflag:s17] =	ssyncadd.s32 @!p0 $0xFFFFC000;
	s19 =	sadd.s32 @!p0 $0x0, s19  }
0x8d: {  	[tilespmem:s15], [sflag:$0x4] =	stream.linear.gather @!p0 [hbm4b:s19+s16], $0x80, $0x38;
	[tilespmem:$0x1FF00] =	vst v63  }
0x8e: {  	_ =	swait.ge @!p0 [sflag:s17], $0x80  }
0x8f: {  	s19 =	rddreg [dreg:$0x4];
	[sflag:s17] =	ssyncset.done @!p0 $0x0  }
0x90: {  	[sflag:s17] =	ssyncadd.s32 @!p0 $0xFFFFFF80;
	s19 =	sadd.s32 @!p0 $0x0, s19  }
0x91: {  	[tilespmem:s13], [sflag:$0x4] =	stream.linear.gather @!p0 [hbm4b:s19+s16], $0x80, $0x38;
	[tilespmem:$0x1FF00] =	vst v63  }
0x92: {  	_ =	swait.ge @!p0 [sflag:s17], $0x80  }
0x93: {  	[sflag:s17] =	ssyncset.done @!p0 $0x0  }
0x94: {  	[sflag:s17] =	ssyncadd.s32 @!p0 $0xFFFFFF80  }
0x95: {  	[tilespmem:s28], [sflag:$0x2] =	stream.indirect.gather @!p0 [hbm4b:s5+s15], $0x80, s15, s15, $0xb8;
	[tilespmem:$0x1FF00] =	vst v63  }
0x96: {  	_ =	swait.ge [sflag:s11], $0x4000  }
0x97: {  	[sflag:s11] =	ssyncset.done $0x0  }
0x98: {  	[sflag:s11] =	ssyncadd.s32 $0xFFFFC000  }
0x99: {  	[spmem:s2] =	stream.indirect.scatter.add.f32 [tilespmem:s9], [sflag:$0x4], $0x80, s7, s0, $0xb8;
	[tilespmem:$0x1FF00] =	vst v63  }
0x9a: {  	s13 =	simm.s32 $0x30;
	s15 =	simm.s32 $0x60;
	_ =	swait.ge [sflag:s30], $0x4000  }
0x9b: {  	s28 =	smov.u32 s14;
	s17 =	rddreg [dreg:$0x7];
	[sflag:s30] =	ssyncset.done $0x0  }
.LBB2_2:
0x9c: {  	[sflag:s30] =	ssyncadd.s32 $0xFFFFC000;
	s17 =	sadd.s32 s13, s17  }
0x9d: {  	[tilespmem:s4], [sflag:$0x4] =	stream.linear.gather [hbm4b:s17+s3], $0x80, $0x38;
	[tilespmem:$0x1FF00] =	vst v63  }
0x9e: {  	_ =	swait.ge [sflag:s30], $0x80  }
0x9f: {  	s25 =	rddreg [dreg:$0x6];
	[sflag:s30] =	ssyncset.done $0x0  }
0xa0: {  	[sflag:s30] =	ssyncadd.s32 $0xFFFFFF80;
	s17 =	sadd.s32 s13, s25  }
0xa1: {  	[tilespmem:s7], [sflag:$0x4] =	stream.linear.gather [hbm4b:s17+s3], $0x80, $0x38;
	[tilespmem:$0x1FF00] =	vst v63  }
0xa2: {  	_ =	swait.ge [sflag:s30], $0x80  }
0xa3: {  	[sflag:s30] =	ssyncset.done $0x0  }
0xa4: {  	[sflag:s30] =	ssyncadd.s32 $0xFFFFFF80  }
0xa5: {  	[tilespmem:s9], [sflag:$0x3] =	stream.indirect.gather [hbm4b:s5+s0], $0x80, s4, s0, $0xb8;
	[tilespmem:$0x1FF00] =	vst v63  }
0xa6: {  	_ =	swait.ge [sflag:s10], $0x4000  }
0xa7: {  	[sflag:s10] =	ssyncset.done $0x0  }
0xa8: {  	[sflag:s10] =	ssyncadd.s32 $0xFFFFC000  }
0xa9: {  	[spmem:s2] =	stream.indirect.scatter.add.f32 [tilespmem:s29], [sflag:$0x4], $0x80, s31, s0, $0xb8;
	[tilespmem:$0x1FF00] =	vst v63  }
0xaa: {  	_ =	swait.ge [sflag:s30], $0x4000  }
0xab: {  	p1 =	seq.s32 s13, $0x4E0;
	[sflag:s30] =	ssyncset.done $0x0  }
0xac: {  	s17 =	simm.s32 @p1 $0x2;
	[sflag:s30] =	ssyncadd.s32 $0xFFFFC000  }
0xad: {  	s28 =	sadd.s32 $0x180, s28;
	_ =	swait.ge @p1 [sflag:s17], $0x4000  }
0xae: {  	s21 =	simm.s32 @p1 $0x4300;
	s23 =	simm.s32 @p1 $0x4;
	[sflag:s17] =	ssyncset.done @p1 $0x0  }
0xaf: {  	s25 =	simm.s32 @p1 $0x200;
	[sflag:s17] =	ssyncadd.s32 @p1 $0xFFFFC000;
	s17 =	simm.s32 @p1 $0x80  }
0xb0: {  	[spmem:s2] =	stream.indirect.scatter.add.f32 @p1 [tilespmem:s21], [sflag:$0x4], $0x80, s25, s17, $0xb8;
	[tilespmem:$0x1FF00] =	vst v63  }
0xb1: {  	s19 =	sshrl.u32 @!p1 s28, $0x3;
	_ =	swait.ge @p1 [sflag:s23], $0x4000  }
0xb2: {  	s20 =	sadd.s32 @!p1 s6, s19;
	[sflag:s23] =	ssyncset.done @p1 $0x0  }
0xb3: {  	s21 =	simm.s32 @!p1 $0x0;
	s17 =	simm.s32 @!p1 $0x4;
	[sflag:s23] =	ssyncadd.s32 @p1 $0xFFFFC000  }
0xb4: {  	[tilespmem:s21], [sflag:$0x4] =	stream.linear.gather @!p1 [hbm4b:s20+s21], $0x80, $0x38;
	[tilespmem:$0x1FF00] =	vst v63  }
0xb5: {  	_ =	swait.ge @!p1 [sflag:s17], $0x80  }
0xb6: {  	[sflag:s17] =	ssyncset.done @!p1 $0x0  }
0xb7: {  	s19 =	sadd.s32 @!p1 s1, s19;
	s20 =	simm.s32 @!p1 $0x180;
	[sflag:s17] =	ssyncadd.s32 @!p1 $0xFFFFFF80  }
0xb8: {  	[tilespmem:s20], [sflag:$0x4] =	stream.linear.gather @!p1 [hbm4b:s19+s21], $0x80, $0x38;
	[tilespmem:$0x1FF00] =	vst v63  }
0xb9: {  	_ =	swait.ge @!p1 [sflag:s17], $0x80  }
0xba: {  	s23 =	simm.s32 @!p1 $0x300;
	[sflag:s17] =	ssyncset.done @!p1 $0x0  }
0xbb: {  	s19 =	simm.s32 @!p1 $0x2;
	s20 =	simm.s32 @!p1 $0x80;
	[sflag:s17] =	ssyncadd.s32 @!p1 $0xFFFFFF80  }
0xbc: {  	[tilespmem:s23], [sflag:$0x1] =	stream.indirect.gather @!p1 [hbm4b:s5+s20], $0x80, s21, s20, $0xb8;
	[tilespmem:$0x1FF00] =	vst v63  }
0xbd: {  	_ =	swait.ge @!p1 [sflag:s19], $0x4000  }
0xbe: {  	[sflag:s19] =	ssyncset.done @!p1 $0x0  }
0xbf: {  	s23 =	simm.s32 @!p1 $0x4300;
	[sflag:s19] =	ssyncadd.s32 @!p1 $0xFFFFC000;
	s19 =	simm.s32 @!p1 $0x200  }
0xc0: {  	[spmem:s2] =	stream.indirect.scatter.add.f32 @!p1 [tilespmem:s23], [sflag:$0x4], $0x80, s19, s20, $0xb8;
	[tilespmem:$0x1FF00] =	vst v63  }
0xc1: {  	_ =	swait.ge @!p1 [sflag:s17], $0x4000  }
0xc2: {  	s25 =	rddreg [dreg:$0x5];
	[sflag:s17] =	ssyncset.done @!p1 $0x0  }
0xc3: {  	[sflag:s17] =	ssyncadd.s32 @!p1 $0xFFFFC000;
	s25 =	sadd.s32 @!p1 s13, s25  }
0xc4: {  	[tilespmem:s20], [sflag:$0x4] =	stream.linear.gather @!p1 [hbm4b:s25+s21], $0x80, $0x38;
	[tilespmem:$0x1FF00] =	vst v63  }
0xc5: {  	_ =	swait.ge @!p1 [sflag:s17], $0x80  }
0xc6: {  	s25 =	rddreg [dreg:$0x4];
	[sflag:s17] =	ssyncset.done @!p1 $0x0  }
0xc7: {  	[sflag:s17] =	ssyncadd.s32 @!p1 $0xFFFFFF80;
	s25 =	sadd.s32 @!p1 s13, s25  }
0xc8: {  	[tilespmem:s19], [sflag:$0x4] =	stream.linear.gather @!p1 [hbm4b:s25+s21], $0x80, $0x38;
	[tilespmem:$0x1FF00] =	vst v63  }
0xc9: {  	_ =	swait.ge @!p1 [sflag:s17], $0x80  }
0xca: {  	[sflag:s17] =	ssyncset.done @!p1 $0x0  }
0xcb: {  	s16 =	smov.u32 s15;
	s15 =	sadd.s32 $0x30, s15;
	[sflag:s17] =	ssyncadd.s32 @!p1 $0xFFFFFF80  }
0xcc: {  	[tilespmem:s23], [sflag:$0x2] =	stream.indirect.gather @!p1 [hbm4b:s5+s20], $0x80, s20, s20, $0xb8;
	[tilespmem:$0x1FF00] =	vst v63  }
0xcd: {  	p0 =	sne.s32 s15, $0x510;
	_ =	swait.ge [sflag:s11], $0x4000  }
.Ltmp0:
0xce: {  	[sflag:s11] =	ssyncset.done $0x0;
	(pc) =	sbr.rel @p0 .LBB2_2-.Ltmp0, $4  }
0xcf: {  	[sflag:s11] =	ssyncadd.s32 $0xFFFFC000  }
0xd0: {  	[spmem:s2] =	stream.indirect.scatter.add.f32 [tilespmem:s9], [sflag:$0x4], $0x80, s7, s0, $0xb8;
	[tilespmem:$0x1FF00] =	vst v63  }
0xd1: {  	_ =	swait.ge [sflag:s30], $0x4000  }
0xd2: {  	s13 =	smov.u32 s16;
	s17 =	rddreg [dreg:$0x7];
	[sflag:s30] =	ssyncset.done $0x0  }
0xd3: {  	[sflag:s30] =	ssyncadd.s32 $0xFFFFC000;
	s15 =	sadd.s32 s13, s17  }
0xd4: {  	[tilespmem:s4], [sflag:$0x4] =	stream.linear.gather [hbm4b:s15+s3], $0x80, $0x38;
	[tilespmem:$0x1FF00] =	vst v63  }
0xd5: {  	_ =	swait.ge [sflag:s30], $0x80  }
0xd6: {  	s17 =	rddreg [dreg:$0x6];
	[sflag:s30] =	ssyncset.done $0x0  }
0xd7: {  	[sflag:s30] =	ssyncadd.s32 $0xFFFFFF80;
	s15 =	sadd.s32 s13, s17  }
0xd8: {  	[tilespmem:s7], [sflag:$0x4] =	stream.linear.gather [hbm4b:s15+s3], $0x80, $0x38;
	[tilespmem:$0x1FF00] =	vst v63  }
0xd9: {  	_ =	swait.ge [sflag:s30], $0x80  }
0xda: {  	[sflag:s30] =	ssyncset.done $0x0  }
0xdb: {  	[sflag:s30] =	ssyncadd.s32 $0xFFFFFF80  }
0xdc: {  	[tilespmem:s9], [sflag:$0x3] =	stream.indirect.gather [hbm4b:s5+s0], $0x80, s4, s0, $0xb8;
	[tilespmem:$0x1FF00] =	vst v63  }
0xdd: {  	_ =	swait.ge [sflag:s10], $0x4000  }
0xde: {  	[sflag:s10] =	ssyncset.done $0x0  }
0xdf: {  	[sflag:s10] =	ssyncadd.s32 $0xFFFFC000  }
0xe0: {  	[spmem:s2] =	stream.indirect.scatter.add.f32 [tilespmem:s29], [sflag:$0x4], $0x80, s31, s0, $0xb8;
	[tilespmem:$0x1FF00] =	vst v63  }
0xe1: {  	_ =	swait.ge [sflag:s30], $0x4000  }
0xe2: {  	p0 =	seq.s32 s13, $0x4E0;
	[sflag:s30] =	ssyncset.done $0x0  }
0xe3: {  	s15 =	simm.s32 @p0 $0x2;
	[sflag:s30] =	ssyncadd.s32 $0xFFFFC000  }
0xe4: {  	_ =	swait.ge @p0 [sflag:s15], $0x4000  }
0xe5: {  	s19 =	simm.s32 @p0 $0x4;
	s20 =	simm.s32 @p0 $0x200;
	[sflag:s15] =	ssyncset.done @p0 $0x0  }
0xe6: {  	s17 =	simm.s32 @p0 $0x4300;
	[sflag:s15] =	ssyncadd.s32 @p0 $0xFFFFC000;
	s15 =	simm.s32 @p0 $0x80  }
0xe7: {  	[spmem:s2] =	stream.indirect.scatter.add.f32 @p0 [tilespmem:s17], [sflag:$0x4], $0x80, s20, s15, $0xb8;
	[tilespmem:$0x1FF00] =	vst v63  }
0xe8: {  	s16 =	sadd.s32 $0x180, s28;
	_ =	swait.ge @p0 [sflag:s19], $0x4000  }
0xe9: {  	s15 =	sshrl.u32 @!p0 s16, $0x3;
	s17 =	simm.s32 @!p0 $0x0;
	[sflag:s19] =	ssyncset.done @p0 $0x0  }
0xea: {  	s16 =	sadd.s32 @!p0 s6, s15;
	[sflag:s19] =	ssyncadd.s32 @p0 $0xFFFFC000;
	s19 =	simm.s32 @!p0 $0x4  }
0xeb: {  	[tilespmem:s17], [sflag:$0x4] =	stream.linear.gather @!p0 [hbm4b:s16+s17], $0x80, $0x38;
	[tilespmem:$0x1FF00] =	vst v63  }
0xec: {  	_ =	swait.ge @!p0 [sflag:s19], $0x80  }
0xed: {  	[sflag:s19] =	ssyncset.done @!p0 $0x0  }
0xee: {  	s15 =	sadd.s32 @!p0 s1, s15;
	s16 =	simm.s32 @!p0 $0x180;
	[sflag:s19] =	ssyncadd.s32 @!p0 $0xFFFFFF80  }
0xef: {  	[tilespmem:s16], [sflag:$0x4] =	stream.linear.gather @!p0 [hbm4b:s15+s17], $0x80, $0x38;
	[tilespmem:$0x1FF00] =	vst v63  }
0xf0: {  	_ =	swait.ge @!p0 [sflag:s19], $0x80  }
0xf1: {  	s20 =	simm.s32 @!p0 $0x300;
	[sflag:s19] =	ssyncset.done @!p0 $0x0  }
0xf2: {  	s15 =	simm.s32 @!p0 $0x2;
	s16 =	simm.s32 @!p0 $0x80;
	[sflag:s19] =	ssyncadd.s32 @!p0 $0xFFFFFF80  }
0xf3: {  	[tilespmem:s20], [sflag:$0x1] =	stream.indirect.gather @!p0 [hbm4b:s5+s16], $0x80, s17, s16, $0xb8;
	[tilespmem:$0x1FF00] =	vst v63  }
0xf4: {  	_ =	swait.ge @!p0 [sflag:s15], $0x4000  }
0xf5: {  	[sflag:s15] =	ssyncset.done @!p0 $0x0  }
0xf6: {  	s20 =	simm.s32 @!p0 $0x4300;
	[sflag:s15] =	ssyncadd.s32 @!p0 $0xFFFFC000;
	s15 =	simm.s32 @!p0 $0x200  }
0xf7: {  	[spmem:s2] =	stream.indirect.scatter.add.f32 @!p0 [tilespmem:s20], [sflag:$0x4], $0x80, s15, s16, $0xb8;
	[tilespmem:$0x1FF00] =	vst v63  }
0xf8: {  	_ =	swait.ge @!p0 [sflag:s19], $0x4000  }
0xf9: {  	s21 =	rddreg [dreg:$0x5];
	[sflag:s19] =	ssyncset.done @!p0 $0x0  }
0xfa: {  	[sflag:s19] =	ssyncadd.s32 @!p0 $0xFFFFC000;
	s21 =	sadd.s32 @!p0 s13, s21  }
0xfb: {  	[tilespmem:s16], [sflag:$0x4] =	stream.linear.gather @!p0 [hbm4b:s21+s17], $0x80, $0x38;
	[tilespmem:$0x1FF00] =	vst v63  }
0xfc: {  	_ =	swait.ge @!p0 [sflag:s19], $0x80  }
0xfd: {  	s21 =	rddreg [dreg:$0x4];
	[sflag:s19] =	ssyncset.done @!p0 $0x0  }
0xfe: {  	s13 =	sadd.s32 @!p0 s13, s21;
	[sflag:s19] =	ssyncadd.s32 @!p0 $0xFFFFFF80  }
0xff: {  	[tilespmem:s15], [sflag:$0x4] =	stream.linear.gather @!p0 [hbm4b:s13+s17], $0x80, $0x38;
	[tilespmem:$0x1FF00] =	vst v63  }
0x100: {  	_ =	swait.ge @!p0 [sflag:s19], $0x80  }
0x101: {  	[sflag:s19] =	ssyncset.done @!p0 $0x0  }
0x102: {  	[sflag:s19] =	ssyncadd.s32 @!p0 $0xFFFFFF80  }
0x103: {  	[tilespmem:s20], [sflag:$0x2] =	stream.indirect.gather @!p0 [hbm4b:s5+s16], $0x80, s16, s16, $0xb8;
	[tilespmem:$0x1FF00] =	vst v63  }
0x104: {  	_ =	swait.ge [sflag:s11], $0x4000  }
0x105: {  	[sflag:s11] =	ssyncset.done $0x0  }
0x106: {  	[sflag:s11] =	ssyncadd.s32 $0xFFFFC000  }
0x107: {  	[spmem:s2] =	stream.indirect.scatter.add.f32 [tilespmem:s9], [sflag:$0x4], $0x80, s7, s0, $0xb8;
	[tilespmem:$0x1FF00] =	vst v63  }
0x108: {  	_ =	swait.ge [sflag:s30], $0x4000  }
0x109: {  	[sflag:s30] =	ssyncset.done $0x0  }
0x10a: {  	[sflag:s30] =	ssyncadd.s32 $0xFFFFC000  }
0x10b: {  	[bflag:$0x0] =	sbarrier.arrive $0xFFFF  }
0x10c: {  	[tilespmem:s29], [sflag:$0x4] =	stream.linear.gather [spmem:s18], $0x4000, $0x38;
	[tilespmem:$0x1FF00] =	vst v63  }
0x10d: {  	_ =	swait.ge [sflag:s30], $0x4000  }
0x10e: {  	[sflag:s30] =	ssyncset.done $0x0  }
0x10f: {  	s19 =	rddreg [dreg:$0xd];
	[sflag:s30] =	ssyncadd.s32 $0xFFFFC000  }
0x110: {  	[hbm4b:s19+s3] =	stream.linear.scatter [tilespmem:s29], [sflag:$0x4], $0x4000, $0x38;
	[tilespmem:$0x1FF00] =	vst v63  }
0x111: {  	_ =	swait.ge [sflag:s30], $0x4000  }
0x112: {  	[sflag:s30] =	ssyncset.done $0x0  }
0x113: {  	[sflag:s30] =	ssyncadd.s32 $0xFFFFC000  }
0x114: {  	[tilespmem:s29], [sflag:$0x4] =	stream.linear.gather [spmem:s22], $0x4000, $0x38;
	[tilespmem:$0x1FF00] =	vst v63  }
0x115: {  	_ =	swait.ge [sflag:s30], $0x4000  }
0x116: {  	[sflag:s30] =	ssyncset.done $0x0  }
0x117: {  	s20 =	rddreg [dreg:$0xe];
	[sflag:s30] =	ssyncadd.s32 $0xFFFFC000  }
0x118: {  	[hbm4b:s20+s3] =	stream.linear.scatter [tilespmem:s29], [sflag:$0x4], $0x4000, $0x38;
	[tilespmem:$0x1FF00] =	vst v63  }
0x119: {  	_ =	swait.ge [sflag:s30], $0x4000  }
0x11a: {  	[sflag:s30] =	ssyncset.done $0x0  }
0x11b: {  	[sflag:s30] =	ssyncadd.s32 $0xFFFFC000  }
0x11c: {  	[tilespmem:s29], [sflag:$0x4] =	stream.linear.gather [spmem:s24], $0x4000, $0x38;
	[tilespmem:$0x1FF00] =	vst v63  }
0x11d: {  	_ =	swait.ge [sflag:s30], $0x4000  }
0x11e: {  	[sflag:s30] =	ssyncset.done $0x0  }
0x11f: {  	s21 =	rddreg [dreg:$0xf];
	[sflag:s30] =	ssyncadd.s32 $0xFFFFC000  }
0x120: {  	[hbm4b:s21+s3] =	stream.linear.scatter [tilespmem:s29], [sflag:$0x4], $0x4000, $0x38;
	[tilespmem:$0x1FF00] =	vst v63  }
0x121: {  	_ =	swait.ge [sflag:s30], $0x4000  }
0x122: {  	[sflag:s30] =	ssyncset.done $0x0  }
0x123: {  	[sflag:s30] =	ssyncadd.s32 $0xFFFFC000  }
0x124: {  	[tilespmem:s29], [sflag:$0x4] =	stream.linear.gather [spmem:s26], $0x4000, $0x38;
	[tilespmem:$0x1FF00] =	vst v63  }
0x125: {  	_ =	swait.ge [sflag:s30], $0x4000  }
0x126: {  	[sflag:s30] =	ssyncset.done $0x0  }
0x127: {  	s23 =	rddreg [dreg:$0x10];
	[sflag:s30] =	ssyncadd.s32 $0xFFFFC000  }
0x128: {  	[hbm4b:s23+s3] =	stream.linear.scatter [tilespmem:s29], [sflag:$0x4], $0x4000, $0x38;
	[tilespmem:$0x1FF00] =	vst v63  }
0x129: {  	_ =	swait.ge [sflag:s30], $0x4000  }
0x12a: {  	[sflag:s30] =	ssyncset.done $0x0  }
0x12b: {  	[sflag:s30] =	ssyncadd.s32 $0xFFFFC000  }
0x12c: {  	[tilespmem:s29], [sflag:$0x4] =	stream.linear.gather [spmem:s8], $0x3C00, $0x38;
	[tilespmem:$0x1FF00] =	vst v63  }
0x12d: {  	_ =	swait.ge [sflag:s30], $0x3C00  }
0x12e: {  	[sflag:s30] =	ssyncset.done $0x0  }
0x12f: {  	s25 =	rddreg [dreg:$0xc];
	[sflag:s30] =	ssyncadd.s32 $0xFFFFC400  }
0x130: {  	[hbm4b:s25+s3] =	stream.linear.scatter [tilespmem:s29], [sflag:$0x4], $0x3C00, $0x38;
	[tilespmem:$0x1FF00] =	vst v63  }
0x131: {  	_ =	swait.ge [sflag:s30], $0x3C00  }
0x132: {  	s12 =	sadd.s32 $0x1, s12;
	s28 =	rddreg [dreg:$0x12]  }
0x133: {  	p0 =	sne.s32 s12, s28  }
.Ltmp1:
0x134: {  	_ = 	snop;
	(pc) =	sbr.rel @p0 .LBB2_1-.Ltmp1, $3  }
0x135: {  	_ =	sdelay $0x1  }
0x136: {  	[sflag:s30] =	ssyncset.done $0x0  }
0x137: {  	[sflag:s30] =	ssyncadd.s32 $0xFFFFC400  }
0x138: {  	_ =	sfence.sel $0x180000  }
0x139: {  	[bflag:$0x0] =	sbarrier.arrive $0xFFFF  }
0x13a: {  	_ =	strace $0x9000004A  }
0x13b: {  	s0 =	stileid.u32;
	[bflag:$0x2] =	sbarrier.arrive $0xFFFF  }
0x13c: {  	p0 =	sne.s32 s0, $0x0;
	s0 =	rddreg [dreg:$0x3]  }
0x13d: {  	s0 =	sadd.s32 @!p0 $0x100000, s0  }
0x13e: {  	[sflag:s0] =	ssyncadd.tile.s32 @!p0 $0x1;
	_ =	shalt  }
.Lfunc_end2:
_tile_overlayer_lowered:
.L_overlay_start_2:
0x13f: {  	(tag) =	ssettag $0x2  }
0x140: {  	s0 =	rddreg [dreg:$0x0];
	s2 =	stileid.u32  }
0x141: {  	s1 =	rddreg [dreg:$0x1];
	p0 =	sne.s32 s2, $0x0  }
0x142: {  	s3 =	rddreg [dreg:$0x2];
	[bflag:$0x3] =	sbarrier.arrive $0xFFFF;
	s2 =	simm.s32 @!p0 $0x1C04  }
0x143: {  	[timem:s3], [sflag:s2] =	dma.local @!p0 [hbm:s0], s1  }
0x144: {  	s0 =	simm.s32 @!p0 $0x4  }
0x145: {  	_ =	swait.ge @!p0 [sflag:s0], s1  }
0x146: {  	s1 =	ssub.s32 @!p0 $0x0, s1;
	[sflag:s0] =	ssyncset.done @!p0 $0x0  }
0x147: {  	[sflag:s0] =	ssyncadd.s32 @!p0 s1  }
0x148: {  	[bflag:$0x3] =	sbarrier.arrive $0xFFFF  }
0x149: {  	_ =	shalt  }

</sc_bundles>
